<compile_context>
chip_gen: v7x
topology: tpu7x:2x2x1
jax: 0.10.2.dev20260603
libtpu: 0.0.44.dev20260713+nightly
codegen_flags: <defaults>
</compile_context>

<pallas_src>
import dataclasses
import functools

import jax
import jax.numpy as jnp
from jax import lax
from jax.experimental import pallas as pl
from jax.experimental.pallas import tpu as pltpu
from jax.experimental.pallas import tpu_sc as plsc

_FOLD_CHUNK = 2000
_NIDX = 4


def _sc_compiler_params():
    cp = pltpu.CompilerParams(use_tc_tiling_on_sc=False)
    if "needs_layout_passes" in pltpu.CompilerParams.__dataclass_fields__:
        cp = dataclasses.replace(cp, needs_layout_passes=False)
    return cp


def _pair_halves(w0, w1, shift):
    if shift:
        w0 = lax.shift_right_logical(w0, shift)
        w1 = lax.shift_right_logical(w1, shift)
    packed = plsc.pack(w0, w1, format=plsc.PackFormat.INTERLEAVED)
    return plsc.bitcast(packed, jnp.bfloat16)


def _sc_fused(emb1, idx1, base_token, V, D, B, L):
    mesh = plsc.VectorSubcoreMesh(core_axis_name="core", subcore_axis_name="subcore")

    @functools.partial(
        pl.kernel,
        out_type=jax.ShapeDtypeStruct((L * (D // 2) * B,), jnp.int32),
        mesh=mesh,
        compiler_params=_sc_compiler_params(),
        scratch_types=[
            pltpu.VMEM((V,), jnp.int32),
            pltpu.VMEM((_FOLD_CHUNK,), jnp.float32),
            pltpu.VMEM((_FOLD_CHUNK,), jnp.float32),
            pltpu.VMEM((_NIDX, B), jnp.int32),
            pltpu.VMEM((2, B), jnp.int32),
            pltpu.VMEM((D,), jnp.float32),
            pltpu.SemaphoreType.DMA,
            pltpu.SemaphoreType.DMA,
            pltpu.SemaphoreType.DMA,
            pltpu.SemaphoreType.DMA,
            pltpu.SemaphoreType.DMA,
            pltpu.SemaphoreType.DMA,
            pltpu.SemaphoreType.DMA,
        ],
    )
    def kern(emb_hbm, idx_hbm, base_hbm, out_hbm,
             tbl_v, lo_v, hi_v, idx_v, out_v, base_v,
             s_i0, s_i1, s_i2, s_i3, s_o0, s_o1, s_f):
        core = lax.axis_index("core")
        sub = lax.axis_index("subcore")
        t = sub * 2 + core
        r0 = 2 * t

        pltpu.make_async_copy(base_hbm, base_v, s_f).start()
        pltpu.make_async_copy(base_hbm, base_v, s_f).wait()
        vlo = plsc.load_gather(base_v, [lax.broadcast(r0, (16,))])
        vhi = plsc.load_gather(base_v, [lax.broadcast(r0 + 1, (16,))])
        base_pair = plsc.pack(vlo, vhi, format=plsc.PackFormat.INTERLEAVED)

        @pl.loop(0, V // _FOLD_CHUNK)
        def _(k):
            off = k * _FOLD_CHUNK
            pltpu.make_async_copy(
                emb_hbm.at[pl.ds(r0 * V + off, _FOLD_CHUNK)], lo_v, s_f).start()
            pltpu.make_async_copy(
                emb_hbm.at[pl.ds((r0 + 1) * V + off, _FOLD_CHUNK)], hi_v, s_f).start()
            pltpu.make_async_copy(
                emb_hbm.at[pl.ds(r0 * V + off, _FOLD_CHUNK)], lo_v, s_f).wait()
            pltpu.make_async_copy(
                emb_hbm.at[pl.ds((r0 + 1) * V + off, _FOLD_CHUNK)], hi_v, s_f).wait()

            @plsc.parallel_loop(0, _FOLD_CHUNK // 16, unroll=4)
            def _(i):
                a = lo_v[pl.ds(i * 16, 16)]
                b = hi_v[pl.ds(i * 16, 16)]
                pv = plsc.pack(a, b, format=plsc.PackFormat.INTERLEAVED) + base_pair
                tbl_v[pl.ds(off + i * 16, 16)] = plsc.bitcast(pv, jnp.int32)

        idx_sems = (s_i0, s_i1, s_i2, s_i3)
        out_sems = (s_o0, s_o1)

        def do_row(l, j):
            pre = (j + _NIDX - 1) % _NIDX

            @pl.when(l + _NIDX - 1 < L)
            def _():
                pltpu.make_async_copy(
                    idx_hbm.at[pl.ds((l + _NIDX - 1) * B, B)], idx_v.at[pre],
                    idx_sems[pre]).start()

            pltpu.make_async_copy(
                idx_hbm.at[pl.ds(l * B, B)], idx_v.at[j], idx_sems[j]).wait()

            ob = j % 2

            @pl.when(l >= 2)
            def _():
                pltpu.make_async_copy(
                    out_v.at[ob],
                    out_hbm.at[pl.ds(((l - 2) * (D // 2) + t) * B, B)],
                    out_sems[ob]).wait()

            @plsc.parallel_loop(0, B // 128)
            def _(bt):
                for q in range(8):
                    goff = bt * 128 + q * 16
                    iv = idx_v[j, pl.ds(goff, 16)]
                    out_v[ob, pl.ds(goff, 16)] = plsc.load_gather(tbl_v, [iv])

            pltpu.make_async_copy(
                out_v.at[ob], out_hbm.at[pl.ds((l * (D // 2) + t) * B, B)],
                out_sems[ob]).start()

        for j in range(_NIDX - 1):
            pltpu.make_async_copy(
                idx_hbm.at[pl.ds(j * B, B)], idx_v.at[j], idx_sems[j]).start()

        @pl.loop(0, L, step=_NIDX)
        def _(l):
            for j in range(_NIDX):
                do_row(l + j, j)

        pltpu.make_async_copy(
            out_v.at[0], out_hbm.at[pl.ds(((L - 2) * (D // 2) + t) * B, B)],
            out_sems[0]).wait()
        pltpu.make_async_copy(
            out_v.at[1], out_hbm.at[pl.ds(((L - 1) * (D // 2) + t) * B, B)],
            out_sems[1]).wait()

    return kern(emb1, idx1, base_token)


def _tc_unpack(words, D, B, L):

    def body(x_ref, o_ref):
        x = x_ref[...].reshape(D // 2, B)
        o_ref[...] = pltpu.bitcast(x, jnp.bfloat16).reshape(1, D, B)

    return pl.pallas_call(
        body,
        grid=(L,),
        in_specs=[pl.BlockSpec((D // 2 * B,), lambda l: (l,))],
        out_specs=pl.BlockSpec((1, D, B), lambda l: (l, 0, 0)),
        out_shape=jax.ShapeDtypeStruct((L, D, B), jnp.bfloat16),
    )(words)


def kernel(actions, batch_time_shape, embedding, base_token):
    V, D = embedding.shape
    B, L = actions.shape

    emb1 = embedding.T.reshape(V * D)
    idx1 = actions.T.reshape(B * L)
    words = _sc_fused(emb1, idx1, base_token, V, D, B, L)
    out3 = _tc_unpack(words, D, B, L)
    return out3.transpose(2, 0, 1)

# --- scband reference (transcript-rebuilt; emitter-appended) ---
"""Pipeline reference for scband-action-embedding-47717086659238 (READ-ONLY COPY).

The authoritative reference and input builder live on the scoring server;
editing this copy changes nothing except your own understanding.
"""

import jax, jax.numpy as jnp
import numpy as np

NUM_ACTIONS = 100000
MODEL_DIM = 64
B = 4096
L = 200


def setup_inputs(seed: int = 0) -> dict:
    key = jax.random.key(seed)
    k1, k2, k3 = jax.random.split(key, 3)
    actions = jax.random.randint(k1, (B, L), 0, NUM_ACTIONS, dtype=jnp.int32)
    embedding = jax.random.normal(k2, (NUM_ACTIONS, MODEL_DIM), dtype=jnp.float32) * 0.02
    base_token = jax.random.normal(k3, (MODEL_DIM,), dtype=jnp.float32) * 0.02
    batch_time_shape = jnp.array([B, L], dtype=jnp.int32)
    return {"actions": actions, "batch_time_shape": batch_time_shape, "embedding": embedding, "base_token": base_token}


def reference(actions, batch_time_shape, embedding, base_token):
    # actions is not None -> embedding-lookup branch of ActionEmbedding.__call__
    # Params are stored float32 and cast to bfloat16 (module dtype), matching flax nn.Embed(dtype=bf16).
    emb_bf = embedding.astype(jnp.bfloat16)
    base_bf = base_token.astype(jnp.bfloat16)
    action_tokens = jnp.take(emb_bf, actions.astype(jnp.int32), axis=0)
    return action_tokens + base_bf

if __name__ == "__main__":
    import jax
    _d = setup_inputs()
    print(jax.jit(kernel)(*tuple(_d.values())))

</pallas_src>

<mosaic_0001>
#map = affine_map<(d0, d1) -> (0)>
module attributes {stable_mosaic.version = 14 : i64} {
  func.func @kern(%arg0: i32, %arg1: i32, %arg2: memref<6400000xf32, #tpu.memory_space<hbm>>, %arg3: memref<819200xi32, #tpu.memory_space<hbm>>, %arg4: memref<64xf32, #tpu.memory_space<hbm>>, %arg5: memref<26214400xi32, #tpu.memory_space<hbm>>, %arg6: memref<100000xi32, #tpu.memory_space<vmem>>, %arg7: memref<2000xf32, #tpu.memory_space<vmem>>, %arg8: memref<2000xf32, #tpu.memory_space<vmem>>, %arg9: memref<4x4096xi32, #tpu.memory_space<vmem>>, %arg10: memref<2x4096xi32, #tpu.memory_space<vmem>>, %arg11: memref<64xf32, #tpu.memory_space<vmem>>, %arg12: memref<!tpu.dma_semaphore, #tpu.memory_space<semaphore_mem>>, %arg13: memref<!tpu.dma_semaphore, #tpu.memory_space<semaphore_mem>>, %arg14: memref<!tpu.dma_semaphore, #tpu.memory_space<semaphore_mem>>, %arg15: memref<!tpu.dma_semaphore, #tpu.memory_space<semaphore_mem>>, %arg16: memref<!tpu.dma_semaphore, #tpu.memory_space<semaphore_mem>>, %arg17: memref<!tpu.dma_semaphore, #tpu.memory_space<semaphore_mem>>, %arg18: memref<!tpu.dma_semaphore, #tpu.memory_space<semaphore_mem>>) attributes {dimension_semantics = [#tpu.dimension_semantics<core_parallel>, #tpu.dimension_semantics<subcore_parallel>], iteration_bounds = array<i64: 2, 16>, scalar_prefetch = 0 : i64, scratch_operands = 13 : i64, tpu.core_type = #tpu.core_type<sc_vector_subcore>, window_params = [{transform_indices = #map}, {transform_indices = #map}, {transform_indices = #map}, {transform_indices = #map}]} {
    %mul3A = arith.constant 2 : i32
    %mul3A_0 = arith.muli %arg1, %mul3A : i32
    %add3A = arith.addi %mul3A_0, %arg0 : i32
    %mul3A_1 = arith.constant 2 : i32
    %mul3A_2 = arith.muli %mul3A_1, %add3A : i32
    tpu.enqueue_dma source(%arg4 : memref<64xf32, #tpu.memory_space<hbm>>) target(%arg11 : memref<64xf32, #tpu.memory_space<vmem>>) target_semaphore(%arg18 : memref<!tpu.dma_semaphore, #tpu.memory_space<semaphore_mem>>)
    tpu.wait_dma2 semaphore(%arg18 : memref<!tpu.dma_semaphore, #tpu.memory_space<semaphore_mem>>) src(%arg4 : memref<64xf32, #tpu.memory_space<hbm>>) dst(%arg11 : memref<64xf32, #tpu.memory_space<vmem>>)
    %broadcast_in_dim3A = vector.broadcast %mul3A_2 : i32 to vector<16xi32>
    %gather3A = tpu.vector_load_idx %arg11[%broadcast_in_dim3A] : memref<64xf32, #tpu.memory_space<vmem>>[vector<16xi32>], vector<16xf32>,
    %add3A_3 = arith.constant 1 : i32
    %add3A_4 = arith.addi %mul3A_2, %add3A_3 : i32
    %broadcast_in_dim3A_5 = vector.broadcast %add3A_4 : i32 to vector<16xi32>
    %gather3A_6 = tpu.vector_load_idx %arg11[%broadcast_in_dim3A_5] : memref<64xf32, #tpu.memory_space<vmem>>[vector<16xi32>], vector<16xf32>,
    %pack3A = tpu.pack_subelements %gather3A, %gather3A_6 {pack_format = #tpu.pack_format<interleaved>, positions = array<i32: 0, 1>} : vector<16xf32>, vector<16xf32> -> vector<32xbf16>
    %scan3A = arith.constant 0 : i32
    %scan3A_7 = arith.constant 50 : i32
    %scan3A_8 = arith.addi %scan3A, %scan3A_7 : i32
    %scan3A_9 = arith.constant 1 : i32
    scf.for %scan3A_73 = %scan3A to %scan3A_8 step %scan3A_9  : i32 {
      %mul3A_74 = arith.constant 1 : i32
      %mul3A_75 = arith.muli %scan3A_73, %mul3A_74 : i32
      %add3A_76 = arith.constant 0 : i32
      %add3A_77 = arith.addi %add3A_76, %mul3A_75 : i32
      %mul3A_78 = arith.constant 2000 : i32
      %mul3A_79 = arith.muli %add3A_77, %mul3A_78 : i32
      %mul3A_80 = arith.constant 100000 : i32
      %mul3A_81 = arith.muli %mul3A_2, %mul3A_80 : i32
      %add3A_82 = arith.addi %mul3A_81, %mul3A_79 : i32
      %dma_start3A_83 = tpu.memref_slice %arg2[%add3A_82] : memref<6400000xf32, #tpu.memory_space<hbm>> -> memref<2000xf32, #tpu.memory_space<hbm>>
      %dma_start3A_84 = tpu.memref_slice %arg2[%add3A_82] : memref<6400000xf32, #tpu.memory_space<hbm>> -> memref<2000xf32, #tpu.memory_space<hbm>>
      tpu.enqueue_dma source(%dma_start3A_84 : memref<2000xf32, #tpu.memory_space<hbm>>) target(%arg7 : memref<2000xf32, #tpu.memory_space<vmem>>) target_semaphore(%arg18 : memref<!tpu.dma_semaphore, #tpu.memory_space<semaphore_mem>>)
      %add3A_85 = arith.constant 1 : i32
      %add3A_86 = arith.addi %mul3A_2, %add3A_85 : i32
      %mul3A_87 = arith.constant 100000 : i32
      %mul3A_88 = arith.muli %add3A_86, %mul3A_87 : i32
      %add3A_89 = arith.addi %mul3A_88, %mul3A_79 : i32
      %dma_start3A_90 = tpu.memref_slice %arg2[%add3A_89] : memref<6400000xf32, #tpu.memory_space<hbm>> -> memref<2000xf32, #tpu.memory_space<hbm>>
      %dma_start3A_91 = tpu.memref_slice %arg2[%add3A_89] : memref<6400000xf32, #tpu.memory_space<hbm>> -> memref<2000xf32, #tpu.memory_space<hbm>>
      tpu.enqueue_dma source(%dma_start3A_91 : memref<2000xf32, #tpu.memory_space<hbm>>) target(%arg8 : memref<2000xf32, #tpu.memory_space<vmem>>) target_semaphore(%arg18 : memref<!tpu.dma_semaphore, #tpu.memory_space<semaphore_mem>>)
      %mul3A_92 = arith.constant 100000 : i32
      %mul3A_93 = arith.muli %mul3A_2, %mul3A_92 : i32
      %add3A_94 = arith.addi %mul3A_93, %mul3A_79 : i32
      %dma_wait3A_95 = tpu.memref_slice %arg2[%add3A_94] : memref<6400000xf32, #tpu.memory_space<hbm>> -> memref<2000xf32, #tpu.memory_space<hbm>>
      %dma_wait3A_96 = tpu.memref_slice %arg2[%add3A_94] : memref<6400000xf32, #tpu.memory_space<hbm>> -> memref<2000xf32, #tpu.memory_space<hbm>>
      tpu.wait_dma2 semaphore(%arg18 : memref<!tpu.dma_semaphore, #tpu.memory_space<semaphore_mem>>) src(%dma_wait3A_96 : memref<2000xf32, #tpu.memory_space<hbm>>) dst(%arg7 : memref<2000xf32, #tpu.memory_space<vmem>>)
      %add3A_97 = arith.constant 1 : i32
      %add3A_98 = arith.addi %mul3A_2, %add3A_97 : i32
      %mul3A_99 = arith.constant 100000 : i32
      %mul3A_100 = arith.muli %add3A_98, %mul3A_99 : i32
      %add3A_101 = arith.addi %mul3A_100, %mul3A_79 : i32
      %dma_wait3A_102 = tpu.memref_slice %arg2[%add3A_101] : memref<6400000xf32, #tpu.memory_space<hbm>> -> memref<2000xf32, #tpu.memory_space<hbm>>
      %dma_wait3A_103 = tpu.memref_slice %arg2[%add3A_101] : memref<6400000xf32, #tpu.memory_space<hbm>> -> memref<2000xf32, #tpu.memory_space<hbm>>
      tpu.wait_dma2 semaphore(%arg18 : memref<!tpu.dma_semaphore, #tpu.memory_space<semaphore_mem>>) src(%dma_wait3A_103 : memref<2000xf32, #tpu.memory_space<hbm>>) dst(%arg8 : memref<2000xf32, #tpu.memory_space<vmem>>)
      %parallel_loop3A = arith.constant 0 : i32
      %parallel_loop3A_104 = arith.constant 125 : i32
      %parallel_loop3A_105 = arith.constant 1 : i32
      scf.for %parallel_loop3A_106 = %parallel_loop3A to %parallel_loop3A_104 step %parallel_loop3A_105  : i32 {
        %parallel_loop3A_107 = arith.constant 16 : i32
        %parallel_loop3A_108 = arith.muli %parallel_loop3A_106, %parallel_loop3A_107 : i32
        %parallel_loop3A_109 = arith.index_cast %parallel_loop3A_108 : i32 to index
        %parallel_loop3A_110 = tpu.vector_load %arg7[%parallel_loop3A_109] {strides = array<i32>} : memref<2000xf32, #tpu.memory_space<vmem>>, vector<16xf32>,
        %parallel_loop3A_111 = arith.constant 16 : i32
        %parallel_loop3A_112 = arith.muli %parallel_loop3A_106, %parallel_loop3A_111 : i32
        %parallel_loop3A_113 = arith.index_cast %parallel_loop3A_112 : i32 to index
        %parallel_loop3A_114 = tpu.vector_load %arg8[%parallel_loop3A_113] {strides = array<i32>} : memref<2000xf32, #tpu.memory_space<vmem>>, vector<16xf32>,
        %parallel_loop3A_115 = tpu.pack_subelements %parallel_loop3A_110, %parallel_loop3A_114 {pack_format = #tpu.pack_format<interleaved>, positions = array<i32: 0, 1>} : vector<16xf32>, vector<16xf32> -> vector<32xbf16>
        %parallel_loop3A_116 = arith.addf %parallel_loop3A_115, %pack3A : vector<32xbf16>
        %parallel_loop3A_117 = vector.bitcast %parallel_loop3A_116 : vector<32xbf16> to vector<16xi32>
        %parallel_loop3A_118 = arith.constant 16 : i32
        %parallel_loop3A_119 = arith.muli %parallel_loop3A_106, %parallel_loop3A_118 : i32
        %parallel_loop3A_120 = arith.addi %mul3A_79, %parallel_loop3A_119 : i32
        %parallel_loop3A_121 = arith.index_cast %parallel_loop3A_120 : i32 to index
        %parallel_loop3A_122 = tpu.vector_load %arg6[%parallel_loop3A_121] {strides = array<i32>} : memref<100000xi32, #tpu.memory_space<vmem>>, vector<16xi32>,
        tpu.vector_store %arg6[%parallel_loop3A_121], %parallel_loop3A_117 {strides = array<i32>} : memref<100000xi32, #tpu.memory_space<vmem>>, vector<16xi32>,
      } {sc.loop_unroll_factor = 4 : i64, sc.parallel_access}
    }
    %scan3A_10 = arith.constant 50 : i32
    %dma_start3A = arith.constant 0 : i32
    %dma_start3A_11 = arith.constant 0 : i32
    %dma_start3A_12 = tpu.memref_slice %arg9[%dma_start3A, %dma_start3A_11] : memref<4x4096xi32, #tpu.memory_space<vmem>> -> memref<1x4096xi32, #tpu.memory_space<vmem>>
    %dma_start3A_13 = tpu.memref_squeeze %dma_start3A_12 : memref<1x4096xi32, #tpu.memory_space<vmem>> -> memref<4096xi32, #tpu.memory_space<vmem>>
    %dma_start3A_14 = arith.constant 0 : i32
    %dma_start3A_15 = tpu.memref_slice %arg3[%dma_start3A_14] : memref<819200xi32, #tpu.memory_space<hbm>> -> memref<4096xi32, #tpu.memory_space<hbm>>
    %dma_start3A_16 = arith.constant 0 : i32
    %dma_start3A_17 = tpu.memref_slice %arg9[%dma_start3A, %dma_start3A_16] : memref<4x4096xi32, #tpu.memory_space<vmem>> -> memref<1x4096xi32, #tpu.memory_space<vmem>>
    %dma_start3A_18 = tpu.memref_squeeze %dma_start3A_17 : memref<1x4096xi32, #tpu.memory_space<vmem>> -> memref<4096xi32, #tpu.memory_space<vmem>>
    %dma_start3A_19 = arith.constant 0 : i32
    %dma_start3A_20 = tpu.memref_slice %arg3[%dma_start3A_19] : memref<819200xi32, #tpu.memory_space<hbm>> -> memref<4096xi32, #tpu.memory_space<hbm>>
    tpu.enqueue_dma source(%dma_start3A_20 : memref<4096xi32, #tpu.memory_space<hbm>>) target(%dma_start3A_18 : memref<4096xi32, #tpu.memory_space<vmem>>) target_semaphore(%arg12 : memref<!tpu.dma_semaphore, #tpu.memory_space<semaphore_mem>>)
    %dma_start3A_21 = arith.constant 1 : i32
    %dma_start3A_22 = arith.constant 0 : i32
    %dma_start3A_23 = tpu.memref_slice %arg9[%dma_start3A_21, %dma_start3A_22] : memref<4x4096xi32, #tpu.memory_space<vmem>> -> memref<1x4096xi32, #tpu.memory_space<vmem>>
    %dma_start3A_24 = tpu.memref_squeeze %dma_start3A_23 : memref<1x4096xi32, #tpu.memory_space<vmem>> -> memref<4096xi32, #tpu.memory_space<vmem>>
    %dma_start3A_25 = arith.constant 4096 : i32
    %dma_start3A_26 = tpu.memref_slice %arg3[%dma_start3A_25] : memref<819200xi32, #tpu.memory_space<hbm>> -> memref<4096xi32, #tpu.memory_space<hbm>>
    %dma_start3A_27 = arith.constant 0 : i32
    %dma_start3A_28 = tpu.memref_slice %arg9[%dma_start3A_21, %dma_start3A_27] : memref<4x4096xi32, #tpu.memory_space<vmem>> -> memref<1x4096xi32, #tpu.memory_space<vmem>>
    %dma_start3A_29 = tpu.memref_squeeze %dma_start3A_28 : memref<1x4096xi32, #tpu.memory_space<vmem>> -> memref<4096xi32, #tpu.memory_space<vmem>>
    %dma_start3A_30 = arith.constant 4096 : i32
    %dma_start3A_31 = tpu.memref_slice %arg3[%dma_start3A_30] : memref<819200xi32, #tpu.memory_space<hbm>> -> memref<4096xi32, #tpu.memory_space<hbm>>
    tpu.enqueue_dma source(%dma_start3A_31 : memref<4096xi32, #tpu.memory_space<hbm>>) target(%dma_start3A_29 : memref<4096xi32, #tpu.memory_space<vmem>>) target_semaphore(%arg13 : memref<!tpu.dma_semaphore, #tpu.memory_space<semaphore_mem>>)
    %dma_start3A_32 = arith.constant 2 : i32
    %dma_start3A_33 = arith.constant 0 : i32
    %dma_start3A_34 = tpu.memref_slice %arg9[%dma_start3A_32, %dma_start3A_33] : memref<4x4096xi32, #tpu.memory_space<vmem>> -> memref<1x4096xi32, #tpu.memory_space<vmem>>
    %dma_start3A_35 = tpu.memref_squeeze %dma_start3A_34 : memref<1x4096xi32, #tpu.memory_space<vmem>> -> memref<4096xi32, #tpu.memory_space<vmem>>
    %dma_start3A_36 = arith.constant 8192 : i32
    %dma_start3A_37 = tpu.memref_slice %arg3[%dma_start3A_36] : memref<819200xi32, #tpu.memory_space<hbm>> -> memref<4096xi32, #tpu.memory_space<hbm>>
    %dma_start3A_38 = arith.constant 0 : i32
    %dma_start3A_39 = tpu.memref_slice %arg9[%dma_start3A_32, %dma_start3A_38] : memref<4x4096xi32, #tpu.memory_space<vmem>> -> memref<1x4096xi32, #tpu.memory_space<vmem>>
    %dma_start3A_40 = tpu.memref_squeeze %dma_start3A_39 : memref<1x4096xi32, #tpu.memory_space<vmem>> -> memref<4096xi32, #tpu.memory_space<vmem>>
    %dma_start3A_41 = arith.constant 8192 : i32
    %dma_start3A_42 = tpu.memref_slice %arg3[%dma_start3A_41] : memref<819200xi32, #tpu.memory_space<hbm>> -> memref<4096xi32, #tpu.memory_space<hbm>>
    tpu.enqueue_dma source(%dma_start3A_42 : memref<4096xi32, #tpu.memory_space<hbm>>) target(%dma_start3A_40 : memref<4096xi32, #tpu.memory_space<vmem>>) target_semaphore(%arg14 : memref<!tpu.dma_semaphore, #tpu.memory_space<semaphore_mem>>)
    %scan3A_43 = arith.constant 0 : i32
    %scan3A_44 = arith.constant 50 : i32
    %scan3A_45 = arith.addi %scan3A_43, %scan3A_44 : i32
    %scan3A_46 = arith.constant 1 : i32
    scf.for %scan3A_73 = %scan3A_43 to %scan3A_45 step %scan3A_46  : i32 {
      %mul3A_74 = arith.constant 4 : i32
      %mul3A_75 = arith.muli %scan3A_73, %mul3A_74 : i32
      %add3A_76 = arith.constant 0 : i32
      %add3A_77 = arith.addi %add3A_76, %mul3A_75 : i32
      %add3A_78 = arith.constant 0 : i32
      %add3A_79 = arith.addi %add3A_77, %add3A_78 : i32
      %add3A_80 = arith.constant 4 : i32
      %add3A_81 = arith.addi %add3A_79, %add3A_80 : i32
      %sub3A = arith.constant 1 : i32
      %sub3A_82 = arith.subi %add3A_81, %sub3A : i32
      %lt3A = arith.constant 200 : i32
      %lt3A_83 = arith.cmpi slt, %sub3A_82, %lt3A : i32
      %convert_element_type3A = arith.extui %lt3A_83 : i1 to i32
      %cond3A = arith.constant 0 : i32
      %cond3A_84 = arith.cmpi ne, %convert_element_type3A, %cond3A : i32
      scf.if %cond3A_84 {
        %add3A_248 = arith.constant 4 : i32
        %add3A_249 = arith.addi %add3A_79, %add3A_248 : i32
        %sub3A_250 = arith.constant 1 : i32
        %sub3A_251 = arith.subi %add3A_249, %sub3A_250 : i32
        %mul3A_252 = arith.constant 4096 : i32
        %mul3A_253 = arith.muli %sub3A_251, %mul3A_252 : i32
        %dma_start3A_254 = arith.constant 3 : i32
        %dma_start3A_255 = arith.constant 0 : i32
        %dma_start3A_256 = tpu.memref_slice %arg9[%dma_start3A_254, %dma_start3A_255] : memref<4x4096xi32, #tpu.memory_space<vmem>> -> memref<1x4096xi32, #tpu.memory_space<vmem>>
        %dma_start3A_257 = tpu.memref_squeeze %dma_start3A_256 : memref<1x4096xi32, #tpu.memory_space<vmem>> -> memref<4096xi32, #tpu.memory_space<vmem>>
        %dma_start3A_258 = tpu.memref_slice %arg3[%mul3A_253] : memref<819200xi32, #tpu.memory_space<hbm>> -> memref<4096xi32, #tpu.memory_space<hbm>>
        %dma_start3A_259 = arith.constant 0 : i32
        %dma_start3A_260 = tpu.memref_slice %arg9[%dma_start3A_254, %dma_start3A_259] : memref<4x4096xi32, #tpu.memory_space<vmem>> -> memref<1x4096xi32, #tpu.memory_space<vmem>>
        %dma_start3A_261 = tpu.memref_squeeze %dma_start3A_260 : memref<1x4096xi32, #tpu.memory_space<vmem>> -> memref<4096xi32, #tpu.memory_space<vmem>>
        %dma_start3A_262 = tpu.memref_slice %arg3[%mul3A_253] : memref<819200xi32, #tpu.memory_space<hbm>> -> memref<4096xi32, #tpu.memory_space<hbm>>
        tpu.enqueue_dma source(%dma_start3A_262 : memref<4096xi32, #tpu.memory_space<hbm>>) target(%dma_start3A_261 : memref<4096xi32, #tpu.memory_space<vmem>>) target_semaphore(%arg15 : memref<!tpu.dma_semaphore, #tpu.memory_space<semaphore_mem>>)
      } else {
      }
      %mul3A_85 = arith.constant 4096 : i32
      %mul3A_86 = arith.muli %add3A_79, %mul3A_85 : i32
      %dma_wait3A_87 = arith.constant 0 : i32
      %dma_wait3A_88 = arith.constant 0 : i32
      %dma_wait3A_89 = tpu.memref_slice %arg9[%dma_wait3A_87, %dma_wait3A_88] : memref<4x4096xi32, #tpu.memory_space<vmem>> -> memref<1x4096xi32, #tpu.memory_space<vmem>>
      %dma_wait3A_90 = tpu.memref_squeeze %dma_wait3A_89 : memref<1x4096xi32, #tpu.memory_space<vmem>> -> memref<4096xi32, #tpu.memory_space<vmem>>
      %dma_wait3A_91 = tpu.memref_slice %arg3[%mul3A_86] : memref<819200xi32, #tpu.memory_space<hbm>> -> memref<4096xi32, #tpu.memory_space<hbm>>
      %dma_wait3A_92 = arith.constant 0 : i32
      %dma_wait3A_93 = tpu.memref_slice %arg9[%dma_wait3A_87, %dma_wait3A_92] : memref<4x4096xi32, #tpu.memory_space<vmem>> -> memref<1x4096xi32, #tpu.memory_space<vmem>>
      %dma_wait3A_94 = tpu.memref_squeeze %dma_wait3A_93 : memref<1x4096xi32, #tpu.memory_space<vmem>> -> memref<4096xi32, #tpu.memory_space<vmem>>
      %dma_wait3A_95 = tpu.memref_slice %arg3[%mul3A_86] : memref<819200xi32, #tpu.memory_space<hbm>> -> memref<4096xi32, #tpu.memory_space<hbm>>
      tpu.wait_dma2 semaphore(%arg12 : memref<!tpu.dma_semaphore, #tpu.memory_space<semaphore_mem>>) src(%dma_wait3A_95 : memref<4096xi32, #tpu.memory_space<hbm>>) dst(%dma_wait3A_94 : memref<4096xi32, #tpu.memory_space<vmem>>)
      %ge3A = arith.constant 2 : i32
      %ge3A_96 = arith.cmpi sge, %add3A_79, %ge3A : i32
      %convert_element_type3A_97 = arith.extui %ge3A_96 : i1 to i32
      %cond3A_98 = arith.constant 0 : i32
      %cond3A_99 = arith.cmpi ne, %convert_element_type3A_97, %cond3A_98 : i32
      scf.if %cond3A_99 {
        %sub3A_248 = arith.constant 2 : i32
        %sub3A_249 = arith.subi %add3A_79, %sub3A_248 : i32
        %mul3A_250 = arith.constant 32 : i32
        %mul3A_251 = arith.muli %sub3A_249, %mul3A_250 : i32
        %add3A_252 = arith.addi %mul3A_251, %add3A : i32
        %mul3A_253 = arith.constant 4096 : i32
        %mul3A_254 = arith.muli %add3A_252, %mul3A_253 : i32
        %dma_wait3A_255 = arith.constant 0 : i32
        %dma_wait3A_256 = arith.constant 0 : i32
        %dma_wait3A_257 = tpu.memref_slice %arg10[%dma_wait3A_255, %dma_wait3A_256] : memref<2x4096xi32, #tpu.memory_space<vmem>> -> memref<1x4096xi32, #tpu.memory_space<vmem>>
        %dma_wait3A_258 = tpu.memref_squeeze %dma_wait3A_257 : memref<1x4096xi32, #tpu.memory_space<vmem>> -> memref<4096xi32, #tpu.memory_space<vmem>>
        %dma_wait3A_259 = tpu.memref_slice %arg5[%mul3A_254] : memref<26214400xi32, #tpu.memory_space<hbm>> -> memref<4096xi32, #tpu.memory_space<hbm>>
        %dma_wait3A_260 = tpu.memref_slice %arg5[%mul3A_254] : memref<26214400xi32, #tpu.memory_space<hbm>> -> memref<4096xi32, #tpu.memory_space<hbm>>
        %dma_wait3A_261 = arith.constant 0 : i32
        %dma_wait3A_262 = tpu.memref_slice %arg10[%dma_wait3A_255, %dma_wait3A_261] : memref<2x4096xi32, #tpu.memory_space<vmem>> -> memref<1x4096xi32, #tpu.memory_space<vmem>>
        %dma_wait3A_263 = tpu.memref_squeeze %dma_wait3A_262 : memref<1x4096xi32, #tpu.memory_space<vmem>> -> memref<4096xi32, #tpu.memory_space<vmem>>
        tpu.wait_dma2 semaphore(%arg16 : memref<!tpu.dma_semaphore, #tpu.memory_space<semaphore_mem>>) src(%dma_wait3A_263 : memref<4096xi32, #tpu.memory_space<vmem>>) dst(%dma_wait3A_260 : memref<4096xi32, #tpu.memory_space<hbm>>)
      } else {
      }
      %parallel_loop3A = arith.constant 0 : i32
      %parallel_loop3A_100 = arith.constant 32 : i32
      %parallel_loop3A_101 = arith.constant 1 : i32
      scf.for %parallel_loop3A_248 = %parallel_loop3A to %parallel_loop3A_100 step %parallel_loop3A_101  : i32 {
        %parallel_loop3A_249 = arith.constant 128 : i32
        %parallel_loop3A_250 = arith.muli %parallel_loop3A_248, %parallel_loop3A_249 : i32
        %parallel_loop3A_251 = arith.constant 0 : i32
        %parallel_loop3A_252 = arith.addi %parallel_loop3A_250, %parallel_loop3A_251 : i32
        %parallel_loop3A_253 = arith.constant 0 : i32
        %parallel_loop3A_254 = arith.index_cast %parallel_loop3A_253 : i32 to index
        %parallel_loop3A_255 = arith.index_cast %parallel_loop3A_252 : i32 to index
        %parallel_loop3A_256 = tpu.vector_load %arg9[%parallel_loop3A_254, %parallel_loop3A_255] {strides = array<i32>} : memref<4x4096xi32, #tpu.memory_space<vmem>>, vector<16xi32>,
        %parallel_loop3A_257 = tpu.vector_load_idx %arg6[%parallel_loop3A_256] : memref<100000xi32, #tpu.memory_space<vmem>>[vector<16xi32>], vector<16xi32>,
        %parallel_loop3A_258 = arith.constant 0 : i32
        %parallel_loop3A_259 = arith.index_cast %parallel_loop3A_258 : i32 to index
        %parallel_loop3A_260 = arith.index_cast %parallel_loop3A_252 : i32 to index
        %parallel_loop3A_261 = tpu.vector_load %arg10[%parallel_loop3A_259, %parallel_loop3A_260] {strides = array<i32>} : memref<2x4096xi32, #tpu.memory_space<vmem>>, vector<16xi32>,
        tpu.vector_store %arg10[%parallel_loop3A_259, %parallel_loop3A_260], %parallel_loop3A_257 {strides = array<i32>} : memref<2x4096xi32, #tpu.memory_space<vmem>>, vector<16xi32>,
        %parallel_loop3A_262 = arith.constant 128 : i32
        %parallel_loop3A_263 = arith.muli %parallel_loop3A_248, %parallel_loop3A_262 : i32
        %parallel_loop3A_264 = arith.constant 16 : i32
        %parallel_loop3A_265 = arith.addi %parallel_loop3A_263, %parallel_loop3A_264 : i32
        %parallel_loop3A_266 = arith.constant 0 : i32
        %parallel_loop3A_267 = arith.index_cast %parallel_loop3A_266 : i32 to index
        %parallel_loop3A_268 = arith.index_cast %parallel_loop3A_265 : i32 to index
        %parallel_loop3A_269 = tpu.vector_load %arg9[%parallel_loop3A_267, %parallel_loop3A_268] {strides = array<i32>} : memref<4x4096xi32, #tpu.memory_space<vmem>>, vector<16xi32>,
        %parallel_loop3A_270 = tpu.vector_load_idx %arg6[%parallel_loop3A_269] : memref<100000xi32, #tpu.memory_space<vmem>>[vector<16xi32>], vector<16xi32>,
        %parallel_loop3A_271 = arith.constant 0 : i32
        %parallel_loop3A_272 = arith.index_cast %parallel_loop3A_271 : i32 to index
        %parallel_loop3A_273 = arith.index_cast %parallel_loop3A_265 : i32 to index
        %parallel_loop3A_274 = tpu.vector_load %arg10[%parallel_loop3A_272, %parallel_loop3A_273] {strides = array<i32>} : memref<2x4096xi32, #tpu.memory_space<vmem>>, vector<16xi32>,
        tpu.vector_store %arg10[%parallel_loop3A_272, %parallel_loop3A_273], %parallel_loop3A_270 {strides = array<i32>} : memref<2x4096xi32, #tpu.memory_space<vmem>>, vector<16xi32>,
        %parallel_loop3A_275 = arith.constant 128 : i32
        %parallel_loop3A_276 = arith.muli %parallel_loop3A_248, %parallel_loop3A_275 : i32
        %parallel_loop3A_277 = arith.constant 32 : i32
        %parallel_loop3A_278 = arith.addi %parallel_loop3A_276, %parallel_loop3A_277 : i32
        %parallel_loop3A_279 = arith.constant 0 : i32
        %parallel_loop3A_280 = arith.index_cast %parallel_loop3A_279 : i32 to index
        %parallel_loop3A_281 = arith.index_cast %parallel_loop3A_278 : i32 to index
        %parallel_loop3A_282 = tpu.vector_load %arg9[%parallel_loop3A_280, %parallel_loop3A_281] {strides = array<i32>} : memref<4x4096xi32, #tpu.memory_space<vmem>>, vector<16xi32>,
        %parallel_loop3A_283 = tpu.vector_load_idx %arg6[%parallel_loop3A_282] : memref<100000xi32, #tpu.memory_space<vmem>>[vector<16xi32>], vector<16xi32>,
        %parallel_loop3A_284 = arith.constant 0 : i32
        %parallel_loop3A_285 = arith.index_cast %parallel_loop3A_284 : i32 to index
        %parallel_loop3A_286 = arith.index_cast %parallel_loop3A_278 : i32 to index
        %parallel_loop3A_287 = tpu.vector_load %arg10[%parallel_loop3A_285, %parallel_loop3A_286] {strides = array<i32>} : memref<2x4096xi32, #tpu.memory_space<vmem>>, vector<16xi32>,
        tpu.vector_store %arg10[%parallel_loop3A_285, %parallel_loop3A_286], %parallel_loop3A_283 {strides = array<i32>} : memref<2x4096xi32, #tpu.memory_space<vmem>>, vector<16xi32>,
        %parallel_loop3A_288 = arith.constant 128 : i32
        %parallel_loop3A_289 = arith.muli %parallel_loop3A_248, %parallel_loop3A_288 : i32
        %parallel_loop3A_290 = arith.constant 48 : i32
        %parallel_loop3A_291 = arith.addi %parallel_loop3A_289, %parallel_loop3A_290 : i32
        %parallel_loop3A_292 = arith.constant 0 : i32
        %parallel_loop3A_293 = arith.index_cast %parallel_loop3A_292 : i32 to index
        %parallel_loop3A_294 = arith.index_cast %parallel_loop3A_291 : i32 to index
        %parallel_loop3A_295 = tpu.vector_load %arg9[%parallel_loop3A_293, %parallel_loop3A_294] {strides = array<i32>} : memref<4x4096xi32, #tpu.memory_space<vmem>>, vector<16xi32>,
        %parallel_loop3A_296 = tpu.vector_load_idx %arg6[%parallel_loop3A_295] : memref<100000xi32, #tpu.memory_space<vmem>>[vector<16xi32>], vector<16xi32>,
        %parallel_loop3A_297 = arith.constant 0 : i32
        %parallel_loop3A_298 = arith.index_cast %parallel_loop3A_297 : i32 to index
        %parallel_loop3A_299 = arith.index_cast %parallel_loop3A_291 : i32 to index
        %parallel_loop3A_300 = tpu.vector_load %arg10[%parallel_loop3A_298, %parallel_loop3A_299] {strides = array<i32>} : memref<2x4096xi32, #tpu.memory_space<vmem>>, vector<16xi32>,
        tpu.vector_store %arg10[%parallel_loop3A_298, %parallel_loop3A_299], %parallel_loop3A_296 {strides = array<i32>} : memref<2x4096xi32, #tpu.memory_space<vmem>>, vector<16xi32>,
        %parallel_loop3A_301 = arith.constant 128 : i32
        %parallel_loop3A_302 = arith.muli %parallel_loop3A_248, %parallel_loop3A_301 : i32
        %parallel_loop3A_303 = arith.constant 64 : i32
        %parallel_loop3A_304 = arith.addi %parallel_loop3A_302, %parallel_loop3A_303 : i32
        %parallel_loop3A_305 = arith.constant 0 : i32
        %parallel_loop3A_306 = arith.index_cast %parallel_loop3A_305 : i32 to index
        %parallel_loop3A_307 = arith.index_cast %parallel_loop3A_304 : i32 to index
        %parallel_loop3A_308 = tpu.vector_load %arg9[%parallel_loop3A_306, %parallel_loop3A_307] {strides = array<i32>} : memref<4x4096xi32, #tpu.memory_space<vmem>>, vector<16xi32>,
        %parallel_loop3A_309 = tpu.vector_load_idx %arg6[%parallel_loop3A_308] : memref<100000xi32, #tpu.memory_space<vmem>>[vector<16xi32>], vector<16xi32>,
        %parallel_loop3A_310 = arith.constant 0 : i32
        %parallel_loop3A_311 = arith.index_cast %parallel_loop3A_310 : i32 to index
        %parallel_loop3A_312 = arith.index_cast %parallel_loop3A_304 : i32 to index
        %parallel_loop3A_313 = tpu.vector_load %arg10[%parallel_loop3A_311, %parallel_loop3A_312] {strides = array<i32>} : memref<2x4096xi32, #tpu.memory_space<vmem>>, vector<16xi32>,
        tpu.vector_store %arg10[%parallel_loop3A_311, %parallel_loop3A_312], %parallel_loop3A_309 {strides = array<i32>} : memref<2x4096xi32, #tpu.memory_space<vmem>>, vector<16xi32>,
        %parallel_loop3A_314 = arith.constant 128 : i32
        %parallel_loop3A_315 = arith.muli %parallel_loop3A_248, %parallel_loop3A_314 : i32
        %parallel_loop3A_316 = arith.constant 80 : i32
        %parallel_loop3A_317 = arith.addi %parallel_loop3A_315, %parallel_loop3A_316 : i32
        %parallel_loop3A_318 = arith.constant 0 : i32
        %parallel_loop3A_319 = arith.index_cast %parallel_loop3A_318 : i32 to index
        %parallel_loop3A_320 = arith.index_cast %parallel_loop3A_317 : i32 to index
        %parallel_loop3A_321 = tpu.vector_load %arg9[%parallel_loop3A_319, %parallel_loop3A_320] {strides = array<i32>} : memref<4x4096xi32, #tpu.memory_space<vmem>>, vector<16xi32>,
        %parallel_loop3A_322 = tpu.vector_load_idx %arg6[%parallel_loop3A_321] : memref<100000xi32, #tpu.memory_space<vmem>>[vector<16xi32>], vector<16xi32>,
        %parallel_loop3A_323 = arith.constant 0 : i32
        %parallel_loop3A_324 = arith.index_cast %parallel_loop3A_323 : i32 to index
        %parallel_loop3A_325 = arith.index_cast %parallel_loop3A_317 : i32 to index
        %parallel_loop3A_326 = tpu.vector_load %arg10[%parallel_loop3A_324, %parallel_loop3A_325] {strides = array<i32>} : memref<2x4096xi32, #tpu.memory_space<vmem>>, vector<16xi32>,
        tpu.vector_store %arg10[%parallel_loop3A_324, %parallel_loop3A_325], %parallel_loop3A_322 {strides = array<i32>} : memref<2x4096xi32, #tpu.memory_space<vmem>>, vector<16xi32>,
        %parallel_loop3A_327 = arith.constant 128 : i32
        %parallel_loop3A_328 = arith.muli %parallel_loop3A_248, %parallel_loop3A_327 : i32
        %parallel_loop3A_329 = arith.constant 96 : i32
        %parallel_loop3A_330 = arith.addi %parallel_loop3A_328, %parallel_loop3A_329 : i32
        %parallel_loop3A_331 = arith.constant 0 : i32
        %parallel_loop3A_332 = arith.index_cast %parallel_loop3A_331 : i32 to index
        %parallel_loop3A_333 = arith.index_cast %parallel_loop3A_330 : i32 to index
        %parallel_loop3A_334 = tpu.vector_load %arg9[%parallel_loop3A_332, %parallel_loop3A_333] {strides = array<i32>} : memref<4x4096xi32, #tpu.memory_space<vmem>>, vector<16xi32>,
        %parallel_loop3A_335 = tpu.vector_load_idx %arg6[%parallel_loop3A_334] : memref<100000xi32, #tpu.memory_space<vmem>>[vector<16xi32>], vector<16xi32>,
        %parallel_loop3A_336 = arith.constant 0 : i32
        %parallel_loop3A_337 = arith.index_cast %parallel_loop3A_336 : i32 to index
        %parallel_loop3A_338 = arith.index_cast %parallel_loop3A_330 : i32 to index
        %parallel_loop3A_339 = tpu.vector_load %arg10[%parallel_loop3A_337, %parallel_loop3A_338] {strides = array<i32>} : memref<2x4096xi32, #tpu.memory_space<vmem>>, vector<16xi32>,
        tpu.vector_store %arg10[%parallel_loop3A_337, %parallel_loop3A_338], %parallel_loop3A_335 {strides = array<i32>} : memref<2x4096xi32, #tpu.memory_space<vmem>>, vector<16xi32>,
        %parallel_loop3A_340 = arith.constant 128 : i32
        %parallel_loop3A_341 = arith.muli %parallel_loop3A_248, %parallel_loop3A_340 : i32
        %parallel_loop3A_342 = arith.constant 112 : i32
        %parallel_loop3A_343 = arith.addi %parallel_loop3A_341, %parallel_loop3A_342 : i32
        %parallel_loop3A_344 = arith.constant 0 : i32
        %parallel_loop3A_345 = arith.index_cast %parallel_loop3A_344 : i32 to index
        %parallel_loop3A_346 = arith.index_cast %parallel_loop3A_343 : i32 to index
        %parallel_loop3A_347 = tpu.vector_load %arg9[%parallel_loop3A_345, %parallel_loop3A_346] {strides = array<i32>} : memref<4x4096xi32, #tpu.memory_space<vmem>>, vector<16xi32>,
        %parallel_loop3A_348 = tpu.vector_load_idx %arg6[%parallel_loop3A_347] : memref<100000xi32, #tpu.memory_space<vmem>>[vector<16xi32>], vector<16xi32>,
        %parallel_loop3A_349 = arith.constant 0 : i32
        %parallel_loop3A_350 = arith.index_cast %parallel_loop3A_349 : i32 to index
        %parallel_loop3A_351 = arith.index_cast %parallel_loop3A_343 : i32 to index
        %parallel_loop3A_352 = tpu.vector_load %arg10[%parallel_loop3A_350, %parallel_loop3A_351] {strides = array<i32>} : memref<2x4096xi32, #tpu.memory_space<vmem>>, vector<16xi32>,
        tpu.vector_store %arg10[%parallel_loop3A_350, %parallel_loop3A_351], %parallel_loop3A_348 {strides = array<i32>} : memref<2x4096xi32, #tpu.memory_space<vmem>>, vector<16xi32>,
      } {sc.loop_unroll_factor = 1 : i64, sc.parallel_access}
      %mul3A_102 = arith.constant 32 : i32
      %mul3A_103 = arith.muli %add3A_79, %mul3A_102 : i32
      %add3A_104 = arith.addi %mul3A_103, %add3A : i32
      %mul3A_105 = arith.constant 4096 : i32
      %mul3A_106 = arith.muli %add3A_104, %mul3A_105 : i32
      %dma_start3A_107 = arith.constant 0 : i32
      %dma_start3A_108 = arith.constant 0 : i32
      %dma_start3A_109 = tpu.memref_slice %arg10[%dma_start3A_107, %dma_start3A_108] : memref<2x4096xi32, #tpu.memory_space<vmem>> -> memref<1x4096xi32, #tpu.memory_space<vmem>>
      %dma_start3A_110 = tpu.memref_squeeze %dma_start3A_109 : memref<1x4096xi32, #tpu.memory_space<vmem>> -> memref<4096xi32, #tpu.memory_space<vmem>>
      %dma_start3A_111 = tpu.memref_slice %arg5[%mul3A_106] : memref<26214400xi32, #tpu.memory_space<hbm>> -> memref<4096xi32, #tpu.memory_space<hbm>>
      %dma_start3A_112 = tpu.memref_slice %arg5[%mul3A_106] : memref<26214400xi32, #tpu.memory_space<hbm>> -> memref<4096xi32, #tpu.memory_space<hbm>>
      %dma_start3A_113 = arith.constant 0 : i32
      %dma_start3A_114 = tpu.memref_slice %arg10[%dma_start3A_107, %dma_start3A_113] : memref<2x4096xi32, #tpu.memory_space<vmem>> -> memref<1x4096xi32, #tpu.memory_space<vmem>>
      %dma_start3A_115 = tpu.memref_squeeze %dma_start3A_114 : memref<1x4096xi32, #tpu.memory_space<vmem>> -> memref<4096xi32, #tpu.memory_space<vmem>>
      tpu.enqueue_dma source(%dma_start3A_115 : memref<4096xi32, #tpu.memory_space<vmem>>) target(%dma_start3A_112 : memref<4096xi32, #tpu.memory_space<hbm>>) target_semaphore(%arg16 : memref<!tpu.dma_semaphore, #tpu.memory_space<semaphore_mem>>)
      %add3A_116 = arith.constant 1 : i32
      %add3A_117 = arith.addi %add3A_77, %add3A_116 : i32
      %add3A_118 = arith.constant 4 : i32
      %add3A_119 = arith.addi %add3A_117, %add3A_118 : i32
      %sub3A_120 = arith.constant 1 : i32
      %sub3A_121 = arith.subi %add3A_119, %sub3A_120 : i32
      %lt3A_122 = arith.constant 200 : i32
      %lt3A_123 = arith.cmpi slt, %sub3A_121, %lt3A_122 : i32
      %convert_element_type3A_124 = arith.extui %lt3A_123 : i1 to i32
      %cond3A_125 = arith.constant 0 : i32
      %cond3A_126 = arith.cmpi ne, %convert_element_type3A_124, %cond3A_125 : i32
      scf.if %cond3A_126 {
        %add3A_248 = arith.constant 4 : i32
        %add3A_249 = arith.addi %add3A_117, %add3A_248 : i32
        %sub3A_250 = arith.constant 1 : i32
        %sub3A_251 = arith.subi %add3A_249, %sub3A_250 : i32
        %mul3A_252 = arith.constant 4096 : i32
        %mul3A_253 = arith.muli %sub3A_251, %mul3A_252 : i32
        %dma_start3A_254 = arith.constant 0 : i32
        %dma_start3A_255 = arith.constant 0 : i32
        %dma_start3A_256 = tpu.memref_slice %arg9[%dma_start3A_254, %dma_start3A_255] : memref<4x4096xi32, #tpu.memory_space<vmem>> -> memref<1x4096xi32, #tpu.memory_space<vmem>>
        %dma_start3A_257 = tpu.memref_squeeze %dma_start3A_256 : memref<1x4096xi32, #tpu.memory_space<vmem>> -> memref<4096xi32, #tpu.memory_space<vmem>>
        %dma_start3A_258 = tpu.memref_slice %arg3[%mul3A_253] : memref<819200xi32, #tpu.memory_space<hbm>> -> memref<4096xi32, #tpu.memory_space<hbm>>
        %dma_start3A_259 = arith.constant 0 : i32
        %dma_start3A_260 = tpu.memref_slice %arg9[%dma_start3A_254, %dma_start3A_259] : memref<4x4096xi32, #tpu.memory_space<vmem>> -> memref<1x4096xi32, #tpu.memory_space<vmem>>
        %dma_start3A_261 = tpu.memref_squeeze %dma_start3A_260 : memref<1x4096xi32, #tpu.memory_space<vmem>> -> memref<4096xi32, #tpu.memory_space<vmem>>
        %dma_start3A_262 = tpu.memref_slice %arg3[%mul3A_253] : memref<819200xi32, #tpu.memory_space<hbm>> -> memref<4096xi32, #tpu.memory_space<hbm>>
        tpu.enqueue_dma source(%dma_start3A_262 : memref<4096xi32, #tpu.memory_space<hbm>>) target(%dma_start3A_261 : memref<4096xi32, #tpu.memory_space<vmem>>) target_semaphore(%arg12 : memref<!tpu.dma_semaphore, #tpu.memory_space<semaphore_mem>>)
      } else {
      }
      %mul3A_127 = arith.constant 4096 : i32
      %mul3A_128 = arith.muli %add3A_117, %mul3A_127 : i32
      %dma_wait3A_129 = arith.constant 1 : i32
      %dma_wait3A_130 = arith.constant 0 : i32
      %dma_wait3A_131 = tpu.memref_slice %arg9[%dma_wait3A_129, %dma_wait3A_130] : memref<4x4096xi32, #tpu.memory_space<vmem>> -> memref<1x4096xi32, #tpu.memory_space<vmem>>
      %dma_wait3A_132 = tpu.memref_squeeze %dma_wait3A_131 : memref<1x4096xi32, #tpu.memory_space<vmem>> -> memref<4096xi32, #tpu.memory_space<vmem>>
      %dma_wait3A_133 = tpu.memref_slice %arg3[%mul3A_128] : memref<819200xi32, #tpu.memory_space<hbm>> -> memref<4096xi32, #tpu.memory_space<hbm>>
      %dma_wait3A_134 = arith.constant 0 : i32
      %dma_wait3A_135 = tpu.memref_slice %arg9[%dma_wait3A_129, %dma_wait3A_134] : memref<4x4096xi32, #tpu.memory_space<vmem>> -> memref<1x4096xi32, #tpu.memory_space<vmem>>
      %dma_wait3A_136 = tpu.memref_squeeze %dma_wait3A_135 : memref<1x4096xi32, #tpu.memory_space<vmem>> -> memref<4096xi32, #tpu.memory_space<vmem>>
      %dma_wait3A_137 = tpu.memref_slice %arg3[%mul3A_128] : memref<819200xi32, #tpu.memory_space<hbm>> -> memref<4096xi32, #tpu.memory_space<hbm>>
      tpu.wait_dma2 semaphore(%arg13 : memref<!tpu.dma_semaphore, #tpu.memory_space<semaphore_mem>>) src(%dma_wait3A_137 : memref<4096xi32, #tpu.memory_space<hbm>>) dst(%dma_wait3A_136 : memref<4096xi32, #tpu.memory_space<vmem>>)
      %ge3A_138 = arith.constant 2 : i32
      %ge3A_139 = arith.cmpi sge, %add3A_117, %ge3A_138 : i32
      %convert_element_type3A_140 = arith.extui %ge3A_139 : i1 to i32
      %cond3A_141 = arith.constant 0 : i32
      %cond3A_142 = arith.cmpi ne, %convert_element_type3A_140, %cond3A_141 : i32
      scf.if %cond3A_142 {
        %sub3A_248 = arith.constant 2 : i32
        %sub3A_249 = arith.subi %add3A_117, %sub3A_248 : i32
        %mul3A_250 = arith.constant 32 : i32
        %mul3A_251 = arith.muli %sub3A_249, %mul3A_250 : i32
        %add3A_252 = arith.addi %mul3A_251, %add3A : i32
        %mul3A_253 = arith.constant 4096 : i32
        %mul3A_254 = arith.muli %add3A_252, %mul3A_253 : i32
        %dma_wait3A_255 = arith.constant 1 : i32
        %dma_wait3A_256 = arith.constant 0 : i32
        %dma_wait3A_257 = tpu.memref_slice %arg10[%dma_wait3A_255, %dma_wait3A_256] : memref<2x4096xi32, #tpu.memory_space<vmem>> -> memref<1x4096xi32, #tpu.memory_space<vmem>>
        %dma_wait3A_258 = tpu.memref_squeeze %dma_wait3A_257 : memref<1x4096xi32, #tpu.memory_space<vmem>> -> memref<4096xi32, #tpu.memory_space<vmem>>
        %dma_wait3A_259 = tpu.memref_slice %arg5[%mul3A_254] : memref<26214400xi32, #tpu.memory_space<hbm>> -> memref<4096xi32, #tpu.memory_space<hbm>>
        %dma_wait3A_260 = tpu.memref_slice %arg5[%mul3A_254] : memref<26214400xi32, #tpu.memory_space<hbm>> -> memref<4096xi32, #tpu.memory_space<hbm>>
        %dma_wait3A_261 = arith.constant 0 : i32
        %dma_wait3A_262 = tpu.memref_slice %arg10[%dma_wait3A_255, %dma_wait3A_261] : memref<2x4096xi32, #tpu.memory_space<vmem>> -> memref<1x4096xi32, #tpu.memory_space<vmem>>
        %dma_wait3A_263 = tpu.memref_squeeze %dma_wait3A_262 : memref<1x4096xi32, #tpu.memory_space<vmem>> -> memref<4096xi32, #tpu.memory_space<vmem>>
        tpu.wait_dma2 semaphore(%arg17 : memref<!tpu.dma_semaphore, #tpu.memory_space<semaphore_mem>>) src(%dma_wait3A_263 : memref<4096xi32, #tpu.memory_space<vmem>>) dst(%dma_wait3A_260 : memref<4096xi32, #tpu.memory_space<hbm>>)
      } else {
      }
      %parallel_loop3A_143 = arith.constant 0 : i32
      %parallel_loop3A_144 = arith.constant 32 : i32
      %parallel_loop3A_145 = arith.constant 1 : i32
      scf.for %parallel_loop3A_248 = %parallel_loop3A_143 to %parallel_loop3A_144 step %parallel_loop3A_145  : i32 {
        %parallel_loop3A_249 = arith.constant 128 : i32
        %parallel_loop3A_250 = arith.muli %parallel_loop3A_248, %parallel_loop3A_249 : i32
        %parallel_loop3A_251 = arith.constant 0 : i32
        %parallel_loop3A_252 = arith.addi %parallel_loop3A_250, %parallel_loop3A_251 : i32
        %parallel_loop3A_253 = arith.constant 1 : i32
        %parallel_loop3A_254 = arith.index_cast %parallel_loop3A_253 : i32 to index
        %parallel_loop3A_255 = arith.index_cast %parallel_loop3A_252 : i32 to index
        %parallel_loop3A_256 = tpu.vector_load %arg9[%parallel_loop3A_254, %parallel_loop3A_255] {strides = array<i32>} : memref<4x4096xi32, #tpu.memory_space<vmem>>, vector<16xi32>,
        %parallel_loop3A_257 = tpu.vector_load_idx %arg6[%parallel_loop3A_256] : memref<100000xi32, #tpu.memory_space<vmem>>[vector<16xi32>], vector<16xi32>,
        %parallel_loop3A_258 = arith.constant 1 : i32
        %parallel_loop3A_259 = arith.index_cast %parallel_loop3A_258 : i32 to index
        %parallel_loop3A_260 = arith.index_cast %parallel_loop3A_252 : i32 to index
        %parallel_loop3A_261 = tpu.vector_load %arg10[%parallel_loop3A_259, %parallel_loop3A_260] {strides = array<i32>} : memref<2x4096xi32, #tpu.memory_space<vmem>>, vector<16xi32>,
        tpu.vector_store %arg10[%parallel_loop3A_259, %parallel_loop3A_260], %parallel_loop3A_257 {strides = array<i32>} : memref<2x4096xi32, #tpu.memory_space<vmem>>, vector<16xi32>,
        %parallel_loop3A_262 = arith.constant 128 : i32
        %parallel_loop3A_263 = arith.muli %parallel_loop3A_248, %parallel_loop3A_262 : i32
        %parallel_loop3A_264 = arith.constant 16 : i32
        %parallel_loop3A_265 = arith.addi %parallel_loop3A_263, %parallel_loop3A_264 : i32
        %parallel_loop3A_266 = arith.constant 1 : i32
        %parallel_loop3A_267 = arith.index_cast %parallel_loop3A_266 : i32 to index
        %parallel_loop3A_268 = arith.index_cast %parallel_loop3A_265 : i32 to index
        %parallel_loop3A_269 = tpu.vector_load %arg9[%parallel_loop3A_267, %parallel_loop3A_268] {strides = array<i32>} : memref<4x4096xi32, #tpu.memory_space<vmem>>, vector<16xi32>,
        %parallel_loop3A_270 = tpu.vector_load_idx %arg6[%parallel_loop3A_269] : memref<100000xi32, #tpu.memory_space<vmem>>[vector<16xi32>], vector<16xi32>,
        %parallel_loop3A_271 = arith.constant 1 : i32
        %parallel_loop3A_272 = arith.index_cast %parallel_loop3A_271 : i32 to index
        %parallel_loop3A_273 = arith.index_cast %parallel_loop3A_265 : i32 to index
        %parallel_loop3A_274 = tpu.vector_load %arg10[%parallel_loop3A_272, %parallel_loop3A_273] {strides = array<i32>} : memref<2x4096xi32, #tpu.memory_space<vmem>>, vector<16xi32>,
        tpu.vector_store %arg10[%parallel_loop3A_272, %parallel_loop3A_273], %parallel_loop3A_270 {strides = array<i32>} : memref<2x4096xi32, #tpu.memory_space<vmem>>, vector<16xi32>,
        %parallel_loop3A_275 = arith.constant 128 : i32
        %parallel_loop3A_276 = arith.muli %parallel_loop3A_248, %parallel_loop3A_275 : i32
        %parallel_loop3A_277 = arith.constant 32 : i32
        %parallel_loop3A_278 = arith.addi %parallel_loop3A_276, %parallel_loop3A_277 : i32
        %parallel_loop3A_279 = arith.constant 1 : i32
        %parallel_loop3A_280 = arith.index_cast %parallel_loop3A_279 : i32 to index
        %parallel_loop3A_281 = arith.index_cast %parallel_loop3A_278 : i32 to index
        %parallel_loop3A_282 = tpu.vector_load %arg9[%parallel_loop3A_280, %parallel_loop3A_281] {strides = array<i32>} : memref<4x4096xi32, #tpu.memory_space<vmem>>, vector<16xi32>,
        %parallel_loop3A_283 = tpu.vector_load_idx %arg6[%parallel_loop3A_282] : memref<100000xi32, #tpu.memory_space<vmem>>[vector<16xi32>], vector<16xi32>,
        %parallel_loop3A_284 = arith.constant 1 : i32
        %parallel_loop3A_285 = arith.index_cast %parallel_loop3A_284 : i32 to index
        %parallel_loop3A_286 = arith.index_cast %parallel_loop3A_278 : i32 to index
        %parallel_loop3A_287 = tpu.vector_load %arg10[%parallel_loop3A_285, %parallel_loop3A_286] {strides = array<i32>} : memref<2x4096xi32, #tpu.memory_space<vmem>>, vector<16xi32>,
        tpu.vector_store %arg10[%parallel_loop3A_285, %parallel_loop3A_286], %parallel_loop3A_283 {strides = array<i32>} : memref<2x4096xi32, #tpu.memory_space<vmem>>, vector<16xi32>,
        %parallel_loop3A_288 = arith.constant 128 : i32
        %parallel_loop3A_289 = arith.muli %parallel_loop3A_248, %parallel_loop3A_288 : i32
        %parallel_loop3A_290 = arith.constant 48 : i32
        %parallel_loop3A_291 = arith.addi %parallel_loop3A_289, %parallel_loop3A_290 : i32
        %parallel_loop3A_292 = arith.constant 1 : i32
        %parallel_loop3A_293 = arith.index_cast %parallel_loop3A_292 : i32 to index
        %parallel_loop3A_294 = arith.index_cast %parallel_loop3A_291 : i32 to index
        %parallel_loop3A_295 = tpu.vector_load %arg9[%parallel_loop3A_293, %parallel_loop3A_294] {strides = array<i32>} : memref<4x4096xi32, #tpu.memory_space<vmem>>, vector<16xi32>,
        %parallel_loop3A_296 = tpu.vector_load_idx %arg6[%parallel_loop3A_295] : memref<100000xi32, #tpu.memory_space<vmem>>[vector<16xi32>], vector<16xi32>,
        %parallel_loop3A_297 = arith.constant 1 : i32
        %parallel_loop3A_298 = arith.index_cast %parallel_loop3A_297 : i32 to index
        %parallel_loop3A_299 = arith.index_cast %parallel_loop3A_291 : i32 to index
        %parallel_loop3A_300 = tpu.vector_load %arg10[%parallel_loop3A_298, %parallel_loop3A_299] {strides = array<i32>} : memref<2x4096xi32, #tpu.memory_space<vmem>>, vector<16xi32>,
        tpu.vector_store %arg10[%parallel_loop3A_298, %parallel_loop3A_299], %parallel_loop3A_296 {strides = array<i32>} : memref<2x4096xi32, #tpu.memory_space<vmem>>, vector<16xi32>,
        %parallel_loop3A_301 = arith.constant 128 : i32
        %parallel_loop3A_302 = arith.muli %parallel_loop3A_248, %parallel_loop3A_301 : i32
        %parallel_loop3A_303 = arith.constant 64 : i32
        %parallel_loop3A_304 = arith.addi %parallel_loop3A_302, %parallel_loop3A_303 : i32
        %parallel_loop3A_305 = arith.constant 1 : i32
        %parallel_loop3A_306 = arith.index_cast %parallel_loop3A_305 : i32 to index
        %parallel_loop3A_307 = arith.index_cast %parallel_loop3A_304 : i32 to index
        %parallel_loop3A_308 = tpu.vector_load %arg9[%parallel_loop3A_306, %parallel_loop3A_307] {strides = array<i32>} : memref<4x4096xi32, #tpu.memory_space<vmem>>, vector<16xi32>,
        %parallel_loop3A_309 = tpu.vector_load_idx %arg6[%parallel_loop3A_308] : memref<100000xi32, #tpu.memory_space<vmem>>[vector<16xi32>], vector<16xi32>,
        %parallel_loop3A_310 = arith.constant 1 : i32
        %parallel_loop3A_311 = arith.index_cast %parallel_loop3A_310 : i32 to index
        %parallel_loop3A_312 = arith.index_cast %parallel_loop3A_304 : i32 to index
        %parallel_loop3A_313 = tpu.vector_load %arg10[%parallel_loop3A_311, %parallel_loop3A_312] {strides = array<i32>} : memref<2x4096xi32, #tpu.memory_space<vmem>>, vector<16xi32>,
        tpu.vector_store %arg10[%parallel_loop3A_311, %parallel_loop3A_312], %parallel_loop3A_309 {strides = array<i32>} : memref<2x4096xi32, #tpu.memory_space<vmem>>, vector<16xi32>,
        %parallel_loop3A_314 = arith.constant 128 : i32
        %parallel_loop3A_315 = arith.muli %parallel_loop3A_248, %parallel_loop3A_314 : i32
        %parallel_loop3A_316 = arith.constant 80 : i32
        %parallel_loop3A_317 = arith.addi %parallel_loop3A_315, %parallel_loop3A_316 : i32
        %parallel_loop3A_318 = arith.constant 1 : i32
        %parallel_loop3A_319 = arith.index_cast %parallel_loop3A_318 : i32 to index
        %parallel_loop3A_320 = arith.index_cast %parallel_loop3A_317 : i32 to index
        %parallel_loop3A_321 = tpu.vector_load %arg9[%parallel_loop3A_319, %parallel_loop3A_320] {strides = array<i32>} : memref<4x4096xi32, #tpu.memory_space<vmem>>, vector<16xi32>,
        %parallel_loop3A_322 = tpu.vector_load_idx %arg6[%parallel_loop3A_321] : memref<100000xi32, #tpu.memory_space<vmem>>[vector<16xi32>], vector<16xi32>,
        %parallel_loop3A_323 = arith.constant 1 : i32
        %parallel_loop3A_324 = arith.index_cast %parallel_loop3A_323 : i32 to index
        %parallel_loop3A_325 = arith.index_cast %parallel_loop3A_317 : i32 to index
        %parallel_loop3A_326 = tpu.vector_load %arg10[%parallel_loop3A_324, %parallel_loop3A_325] {strides = array<i32>} : memref<2x4096xi32, #tpu.memory_space<vmem>>, vector<16xi32>,
        tpu.vector_store %arg10[%parallel_loop3A_324, %parallel_loop3A_325], %parallel_loop3A_322 {strides = array<i32>} : memref<2x4096xi32, #tpu.memory_space<vmem>>, vector<16xi32>,
        %parallel_loop3A_327 = arith.constant 128 : i32
        %parallel_loop3A_328 = arith.muli %parallel_loop3A_248, %parallel_loop3A_327 : i32
        %parallel_loop3A_329 = arith.constant 96 : i32
        %parallel_loop3A_330 = arith.addi %parallel_loop3A_328, %parallel_loop3A_329 : i32
        %parallel_loop3A_331 = arith.constant 1 : i32
        %parallel_loop3A_332 = arith.index_cast %parallel_loop3A_331 : i32 to index
        %parallel_loop3A_333 = arith.index_cast %parallel_loop3A_330 : i32 to index
        %parallel_loop3A_334 = tpu.vector_load %arg9[%parallel_loop3A_332, %parallel_loop3A_333] {strides = array<i32>} : memref<4x4096xi32, #tpu.memory_space<vmem>>, vector<16xi32>,
        %parallel_loop3A_335 = tpu.vector_load_idx %arg6[%parallel_loop3A_334] : memref<100000xi32, #tpu.memory_space<vmem>>[vector<16xi32>], vector<16xi32>,
        %parallel_loop3A_336 = arith.constant 1 : i32
        %parallel_loop3A_337 = arith.index_cast %parallel_loop3A_336 : i32 to index
        %parallel_loop3A_338 = arith.index_cast %parallel_loop3A_330 : i32 to index
        %parallel_loop3A_339 = tpu.vector_load %arg10[%parallel_loop3A_337, %parallel_loop3A_338] {strides = array<i32>} : memref<2x4096xi32, #tpu.memory_space<vmem>>, vector<16xi32>,
        tpu.vector_store %arg10[%parallel_loop3A_337, %parallel_loop3A_338], %parallel_loop3A_335 {strides = array<i32>} : memref<2x4096xi32, #tpu.memory_space<vmem>>, vector<16xi32>,
        %parallel_loop3A_340 = arith.constant 128 : i32
        %parallel_loop3A_341 = arith.muli %parallel_loop3A_248, %parallel_loop3A_340 : i32
        %parallel_loop3A_342 = arith.constant 112 : i32
        %parallel_loop3A_343 = arith.addi %parallel_loop3A_341, %parallel_loop3A_342 : i32
        %parallel_loop3A_344 = arith.constant 1 : i32
        %parallel_loop3A_345 = arith.index_cast %parallel_loop3A_344 : i32 to index
        %parallel_loop3A_346 = arith.index_cast %parallel_loop3A_343 : i32 to index
        %parallel_loop3A_347 = tpu.vector_load %arg9[%parallel_loop3A_345, %parallel_loop3A_346] {strides = array<i32>} : memref<4x4096xi32, #tpu.memory_space<vmem>>, vector<16xi32>,
        %parallel_loop3A_348 = tpu.vector_load_idx %arg6[%parallel_loop3A_347] : memref<100000xi32, #tpu.memory_space<vmem>>[vector<16xi32>], vector<16xi32>,
        %parallel_loop3A_349 = arith.constant 1 : i32
        %parallel_loop3A_350 = arith.index_cast %parallel_loop3A_349 : i32 to index
        %parallel_loop3A_351 = arith.index_cast %parallel_loop3A_343 : i32 to index
        %parallel_loop3A_352 = tpu.vector_load %arg10[%parallel_loop3A_350, %parallel_loop3A_351] {strides = array<i32>} : memref<2x4096xi32, #tpu.memory_space<vmem>>, vector<16xi32>,
        tpu.vector_store %arg10[%parallel_loop3A_350, %parallel_loop3A_351], %parallel_loop3A_348 {strides = array<i32>} : memref<2x4096xi32, #tpu.memory_space<vmem>>, vector<16xi32>,
      } {sc.loop_unroll_factor = 1 : i64, sc.parallel_access}
      %mul3A_146 = arith.constant 32 : i32
      %mul3A_147 = arith.muli %add3A_117, %mul3A_146 : i32
      %add3A_148 = arith.addi %mul3A_147, %add3A : i32
      %mul3A_149 = arith.constant 4096 : i32
      %mul3A_150 = arith.muli %add3A_148, %mul3A_149 : i32
      %dma_start3A_151 = arith.constant 1 : i32
      %dma_start3A_152 = arith.constant 0 : i32
      %dma_start3A_153 = tpu.memref_slice %arg10[%dma_start3A_151, %dma_start3A_152] : memref<2x4096xi32, #tpu.memory_space<vmem>> -> memref<1x4096xi32, #tpu.memory_space<vmem>>
      %dma_start3A_154 = tpu.memref_squeeze %dma_start3A_153 : memref<1x4096xi32, #tpu.memory_space<vmem>> -> memref<4096xi32, #tpu.memory_space<vmem>>
      %dma_start3A_155 = tpu.memref_slice %arg5[%mul3A_150] : memref<26214400xi32, #tpu.memory_space<hbm>> -> memref<4096xi32, #tpu.memory_space<hbm>>
      %dma_start3A_156 = tpu.memref_slice %arg5[%mul3A_150] : memref<26214400xi32, #tpu.memory_space<hbm>> -> memref<4096xi32, #tpu.memory_space<hbm>>
      %dma_start3A_157 = arith.constant 0 : i32
      %dma_start3A_158 = tpu.memref_slice %arg10[%dma_start3A_151, %dma_start3A_157] : memref<2x4096xi32, #tpu.memory_space<vmem>> -> memref<1x4096xi32, #tpu.memory_space<vmem>>
      %dma_start3A_159 = tpu.memref_squeeze %dma_start3A_158 : memref<1x4096xi32, #tpu.memory_space<vmem>> -> memref<4096xi32, #tpu.memory_space<vmem>>
      tpu.enqueue_dma source(%dma_start3A_159 : memref<4096xi32, #tpu.memory_space<vmem>>) target(%dma_start3A_156 : memref<4096xi32, #tpu.memory_space<hbm>>) target_semaphore(%arg17 : memref<!tpu.dma_semaphore, #tpu.memory_space<semaphore_mem>>)
      %add3A_160 = arith.constant 2 : i32
      %add3A_161 = arith.addi %add3A_77, %add3A_160 : i32
      %add3A_162 = arith.constant 4 : i32
      %add3A_163 = arith.addi %add3A_161, %add3A_162 : i32
      %sub3A_164 = arith.constant 1 : i32
      %sub3A_165 = arith.subi %add3A_163, %sub3A_164 : i32
      %lt3A_166 = arith.constant 200 : i32
      %lt3A_167 = arith.cmpi slt, %sub3A_165, %lt3A_166 : i32
      %convert_element_type3A_168 = arith.extui %lt3A_167 : i1 to i32
      %cond3A_169 = arith.constant 0 : i32
      %cond3A_170 = arith.cmpi ne, %convert_element_type3A_168, %cond3A_169 : i32
      scf.if %cond3A_170 {
        %add3A_248 = arith.constant 4 : i32
        %add3A_249 = arith.addi %add3A_161, %add3A_248 : i32
        %sub3A_250 = arith.constant 1 : i32
        %sub3A_251 = arith.subi %add3A_249, %sub3A_250 : i32
        %mul3A_252 = arith.constant 4096 : i32
        %mul3A_253 = arith.muli %sub3A_251, %mul3A_252 : i32
        %dma_start3A_254 = arith.constant 1 : i32
        %dma_start3A_255 = arith.constant 0 : i32
        %dma_start3A_256 = tpu.memref_slice %arg9[%dma_start3A_254, %dma_start3A_255] : memref<4x4096xi32, #tpu.memory_space<vmem>> -> memref<1x4096xi32, #tpu.memory_space<vmem>>
        %dma_start3A_257 = tpu.memref_squeeze %dma_start3A_256 : memref<1x4096xi32, #tpu.memory_space<vmem>> -> memref<4096xi32, #tpu.memory_space<vmem>>
        %dma_start3A_258 = tpu.memref_slice %arg3[%mul3A_253] : memref<819200xi32, #tpu.memory_space<hbm>> -> memref<4096xi32, #tpu.memory_space<hbm>>
        %dma_start3A_259 = arith.constant 0 : i32
        %dma_start3A_260 = tpu.memref_slice %arg9[%dma_start3A_254, %dma_start3A_259] : memref<4x4096xi32, #tpu.memory_space<vmem>> -> memref<1x4096xi32, #tpu.memory_space<vmem>>
        %dma_start3A_261 = tpu.memref_squeeze %dma_start3A_260 : memref<1x4096xi32, #tpu.memory_space<vmem>> -> memref<4096xi32, #tpu.memory_space<vmem>>
        %dma_start3A_262 = tpu.memref_slice %arg3[%mul3A_253] : memref<819200xi32, #tpu.memory_space<hbm>> -> memref<4096xi32, #tpu.memory_space<hbm>>
        tpu.enqueue_dma source(%dma_start3A_262 : memref<4096xi32, #tpu.memory_space<hbm>>) target(%dma_start3A_261 : memref<4096xi32, #tpu.memory_space<vmem>>) target_semaphore(%arg13 : memref<!tpu.dma_semaphore, #tpu.memory_space<semaphore_mem>>)
      } else {
      }
      %mul3A_171 = arith.constant 4096 : i32
      %mul3A_172 = arith.muli %add3A_161, %mul3A_171 : i32
      %dma_wait3A_173 = arith.constant 2 : i32
      %dma_wait3A_174 = arith.constant 0 : i32
      %dma_wait3A_175 = tpu.memref_slice %arg9[%dma_wait3A_173, %dma_wait3A_174] : memref<4x4096xi32, #tpu.memory_space<vmem>> -> memref<1x4096xi32, #tpu.memory_space<vmem>>
      %dma_wait3A_176 = tpu.memref_squeeze %dma_wait3A_175 : memref<1x4096xi32, #tpu.memory_space<vmem>> -> memref<4096xi32, #tpu.memory_space<vmem>>
      %dma_wait3A_177 = tpu.memref_slice %arg3[%mul3A_172] : memref<819200xi32, #tpu.memory_space<hbm>> -> memref<4096xi32, #tpu.memory_space<hbm>>
      %dma_wait3A_178 = arith.constant 0 : i32
      %dma_wait3A_179 = tpu.memref_slice %arg9[%dma_wait3A_173, %dma_wait3A_178] : memref<4x4096xi32, #tpu.memory_space<vmem>> -> memref<1x4096xi32, #tpu.memory_space<vmem>>
      %dma_wait3A_180 = tpu.memref_squeeze %dma_wait3A_179 : memref<1x4096xi32, #tpu.memory_space<vmem>> -> memref<4096xi32, #tpu.memory_space<vmem>>
      %dma_wait3A_181 = tpu.memref_slice %arg3[%mul3A_172] : memref<819200xi32, #tpu.memory_space<hbm>> -> memref<4096xi32, #tpu.memory_space<hbm>>
      tpu.wait_dma2 semaphore(%arg14 : memref<!tpu.dma_semaphore, #tpu.memory_space<semaphore_mem>>) src(%dma_wait3A_181 : memref<4096xi32, #tpu.memory_space<hbm>>) dst(%dma_wait3A_180 : memref<4096xi32, #tpu.memory_space<vmem>>)
      %ge3A_182 = arith.constant 2 : i32
      %ge3A_183 = arith.cmpi sge, %add3A_161, %ge3A_182 : i32
      %convert_element_type3A_184 = arith.extui %ge3A_183 : i1 to i32
      %cond3A_185 = arith.constant 0 : i32
      %cond3A_186 = arith.cmpi ne, %convert_element_type3A_184, %cond3A_185 : i32
      scf.if %cond3A_186 {
        %sub3A_248 = arith.constant 2 : i32
        %sub3A_249 = arith.subi %add3A_161, %sub3A_248 : i32
        %mul3A_250 = arith.constant 32 : i32
        %mul3A_251 = arith.muli %sub3A_249, %mul3A_250 : i32
        %add3A_252 = arith.addi %mul3A_251, %add3A : i32
        %mul3A_253 = arith.constant 4096 : i32
        %mul3A_254 = arith.muli %add3A_252, %mul3A_253 : i32
        %dma_wait3A_255 = arith.constant 0 : i32
        %dma_wait3A_256 = arith.constant 0 : i32
        %dma_wait3A_257 = tpu.memref_slice %arg10[%dma_wait3A_255, %dma_wait3A_256] : memref<2x4096xi32, #tpu.memory_space<vmem>> -> memref<1x4096xi32, #tpu.memory_space<vmem>>
        %dma_wait3A_258 = tpu.memref_squeeze %dma_wait3A_257 : memref<1x4096xi32, #tpu.memory_space<vmem>> -> memref<4096xi32, #tpu.memory_space<vmem>>
        %dma_wait3A_259 = tpu.memref_slice %arg5[%mul3A_254] : memref<26214400xi32, #tpu.memory_space<hbm>> -> memref<4096xi32, #tpu.memory_space<hbm>>
        %dma_wait3A_260 = tpu.memref_slice %arg5[%mul3A_254] : memref<26214400xi32, #tpu.memory_space<hbm>> -> memref<4096xi32, #tpu.memory_space<hbm>>
        %dma_wait3A_261 = arith.constant 0 : i32
        %dma_wait3A_262 = tpu.memref_slice %arg10[%dma_wait3A_255, %dma_wait3A_261] : memref<2x4096xi32, #tpu.memory_space<vmem>> -> memref<1x4096xi32, #tpu.memory_space<vmem>>
        %dma_wait3A_263 = tpu.memref_squeeze %dma_wait3A_262 : memref<1x4096xi32, #tpu.memory_space<vmem>> -> memref<4096xi32, #tpu.memory_space<vmem>>
        tpu.wait_dma2 semaphore(%arg16 : memref<!tpu.dma_semaphore, #tpu.memory_space<semaphore_mem>>) src(%dma_wait3A_263 : memref<4096xi32, #tpu.memory_space<vmem>>) dst(%dma_wait3A_260 : memref<4096xi32, #tpu.memory_space<hbm>>)
      } else {
      }
      %parallel_loop3A_187 = arith.constant 0 : i32
      %parallel_loop3A_188 = arith.constant 32 : i32
      %parallel_loop3A_189 = arith.constant 1 : i32
      scf.for %parallel_loop3A_248 = %parallel_loop3A_187 to %parallel_loop3A_188 step %parallel_loop3A_189  : i32 {
        %parallel_loop3A_249 = arith.constant 128 : i32
        %parallel_loop3A_250 = arith.muli %parallel_loop3A_248, %parallel_loop3A_249 : i32
        %parallel_loop3A_251 = arith.constant 0 : i32
        %parallel_loop3A_252 = arith.addi %parallel_loop3A_250, %parallel_loop3A_251 : i32
        %parallel_loop3A_253 = arith.constant 2 : i32
        %parallel_loop3A_254 = arith.index_cast %parallel_loop3A_253 : i32 to index
        %parallel_loop3A_255 = arith.index_cast %parallel_loop3A_252 : i32 to index
        %parallel_loop3A_256 = tpu.vector_load %arg9[%parallel_loop3A_254, %parallel_loop3A_255] {strides = array<i32>} : memref<4x4096xi32, #tpu.memory_space<vmem>>, vector<16xi32>,
        %parallel_loop3A_257 = tpu.vector_load_idx %arg6[%parallel_loop3A_256] : memref<100000xi32, #tpu.memory_space<vmem>>[vector<16xi32>], vector<16xi32>,
        %parallel_loop3A_258 = arith.constant 0 : i32
        %parallel_loop3A_259 = arith.index_cast %parallel_loop3A_258 : i32 to index
        %parallel_loop3A_260 = arith.index_cast %parallel_loop3A_252 : i32 to index
        %parallel_loop3A_261 = tpu.vector_load %arg10[%parallel_loop3A_259, %parallel_loop3A_260] {strides = array<i32>} : memref<2x4096xi32, #tpu.memory_space<vmem>>, vector<16xi32>,
        tpu.vector_store %arg10[%parallel_loop3A_259, %parallel_loop3A_260], %parallel_loop3A_257 {strides = array<i32>} : memref<2x4096xi32, #tpu.memory_space<vmem>>, vector<16xi32>,
        %parallel_loop3A_262 = arith.constant 128 : i32
        %parallel_loop3A_263 = arith.muli %parallel_loop3A_248, %parallel_loop3A_262 : i32
        %parallel_loop3A_264 = arith.constant 16 : i32
        %parallel_loop3A_265 = arith.addi %parallel_loop3A_263, %parallel_loop3A_264 : i32
        %parallel_loop3A_266 = arith.constant 2 : i32
        %parallel_loop3A_267 = arith.index_cast %parallel_loop3A_266 : i32 to index
        %parallel_loop3A_268 = arith.index_cast %parallel_loop3A_265 : i32 to index
        %parallel_loop3A_269 = tpu.vector_load %arg9[%parallel_loop3A_267, %parallel_loop3A_268] {strides = array<i32>} : memref<4x4096xi32, #tpu.memory_space<vmem>>, vector<16xi32>,
        %parallel_loop3A_270 = tpu.vector_load_idx %arg6[%parallel_loop3A_269] : memref<100000xi32, #tpu.memory_space<vmem>>[vector<16xi32>], vector<16xi32>,
        %parallel_loop3A_271 = arith.constant 0 : i32
        %parallel_loop3A_272 = arith.index_cast %parallel_loop3A_271 : i32 to index
        %parallel_loop3A_273 = arith.index_cast %parallel_loop3A_265 : i32 to index
        %parallel_loop3A_274 = tpu.vector_load %arg10[%parallel_loop3A_272, %parallel_loop3A_273] {strides = array<i32>} : memref<2x4096xi32, #tpu.memory_space<vmem>>, vector<16xi32>,
        tpu.vector_store %arg10[%parallel_loop3A_272, %parallel_loop3A_273], %parallel_loop3A_270 {strides = array<i32>} : memref<2x4096xi32, #tpu.memory_space<vmem>>, vector<16xi32>,
        %parallel_loop3A_275 = arith.constant 128 : i32
        %parallel_loop3A_276 = arith.muli %parallel_loop3A_248, %parallel_loop3A_275 : i32
        %parallel_loop3A_277 = arith.constant 32 : i32
        %parallel_loop3A_278 = arith.addi %parallel_loop3A_276, %parallel_loop3A_277 : i32
        %parallel_loop3A_279 = arith.constant 2 : i32
        %parallel_loop3A_280 = arith.index_cast %parallel_loop3A_279 : i32 to index
        %parallel_loop3A_281 = arith.index_cast %parallel_loop3A_278 : i32 to index
        %parallel_loop3A_282 = tpu.vector_load %arg9[%parallel_loop3A_280, %parallel_loop3A_281] {strides = array<i32>} : memref<4x4096xi32, #tpu.memory_space<vmem>>, vector<16xi32>,
        %parallel_loop3A_283 = tpu.vector_load_idx %arg6[%parallel_loop3A_282] : memref<100000xi32, #tpu.memory_space<vmem>>[vector<16xi32>], vector<16xi32>,
        %parallel_loop3A_284 = arith.constant 0 : i32
        %parallel_loop3A_285 = arith.index_cast %parallel_loop3A_284 : i32 to index
        %parallel_loop3A_286 = arith.index_cast %parallel_loop3A_278 : i32 to index
        %parallel_loop3A_287 = tpu.vector_load %arg10[%parallel_loop3A_285, %parallel_loop3A_286] {strides = array<i32>} : memref<2x4096xi32, #tpu.memory_space<vmem>>, vector<16xi32>,
        tpu.vector_store %arg10[%parallel_loop3A_285, %parallel_loop3A_286], %parallel_loop3A_283 {strides = array<i32>} : memref<2x4096xi32, #tpu.memory_space<vmem>>, vector<16xi32>,
        %parallel_loop3A_288 = arith.constant 128 : i32
        %parallel_loop3A_289 = arith.muli %parallel_loop3A_248, %parallel_loop3A_288 : i32
        %parallel_loop3A_290 = arith.constant 48 : i32
        %parallel_loop3A_291 = arith.addi %parallel_loop3A_289, %parallel_loop3A_290 : i32
        %parallel_loop3A_292 = arith.constant 2 : i32
        %parallel_loop3A_293 = arith.index_cast %parallel_loop3A_292 : i32 to index
        %parallel_loop3A_294 = arith.index_cast %parallel_loop3A_291 : i32 to index
        %parallel_loop3A_295 = tpu.vector_load %arg9[%parallel_loop3A_293, %parallel_loop3A_294] {strides = array<i32>} : memref<4x4096xi32, #tpu.memory_space<vmem>>, vector<16xi32>,
        %parallel_loop3A_296 = tpu.vector_load_idx %arg6[%parallel_loop3A_295] : memref<100000xi32, #tpu.memory_space<vmem>>[vector<16xi32>], vector<16xi32>,
        %parallel_loop3A_297 = arith.constant 0 : i32
        %parallel_loop3A_298 = arith.index_cast %parallel_loop3A_297 : i32 to index
        %parallel_loop3A_299 = arith.index_cast %parallel_loop3A_291 : i32 to index
        %parallel_loop3A_300 = tpu.vector_load %arg10[%parallel_loop3A_298, %parallel_loop3A_299] {strides = array<i32>} : memref<2x4096xi32, #tpu.memory_space<vmem>>, vector<16xi32>,
        tpu.vector_store %arg10[%parallel_loop3A_298, %parallel_loop3A_299], %parallel_loop3A_296 {strides = array<i32>} : memref<2x4096xi32, #tpu.memory_space<vmem>>, vector<16xi32>,
        %parallel_loop3A_301 = arith.constant 128 : i32
        %parallel_loop3A_302 = arith.muli %parallel_loop3A_248, %parallel_loop3A_301 : i32
        %parallel_loop3A_303 = arith.constant 64 : i32
        %parallel_loop3A_304 = arith.addi %parallel_loop3A_302, %parallel_loop3A_303 : i32
        %parallel_loop3A_305 = arith.constant 2 : i32
        %parallel_loop3A_306 = arith.index_cast %parallel_loop3A_305 : i32 to index
        %parallel_loop3A_307 = arith.index_cast %parallel_loop3A_304 : i32 to index
        %parallel_loop3A_308 = tpu.vector_load %arg9[%parallel_loop3A_306, %parallel_loop3A_307] {strides = array<i32>} : memref<4x4096xi32, #tpu.memory_space<vmem>>, vector<16xi32>,
        %parallel_loop3A_309 = tpu.vector_load_idx %arg6[%parallel_loop3A_308] : memref<100000xi32, #tpu.memory_space<vmem>>[vector<16xi32>], vector<16xi32>,
        %parallel_loop3A_310 = arith.constant 0 : i32
        %parallel_loop3A_311 = arith.index_cast %parallel_loop3A_310 : i32 to index
        %parallel_loop3A_312 = arith.index_cast %parallel_loop3A_304 : i32 to index
        %parallel_loop3A_313 = tpu.vector_load %arg10[%parallel_loop3A_311, %parallel_loop3A_312] {strides = array<i32>} : memref<2x4096xi32, #tpu.memory_space<vmem>>, vector<16xi32>,
        tpu.vector_store %arg10[%parallel_loop3A_311, %parallel_loop3A_312], %parallel_loop3A_309 {strides = array<i32>} : memref<2x4096xi32, #tpu.memory_space<vmem>>, vector<16xi32>,
        %parallel_loop3A_314 = arith.constant 128 : i32
        %parallel_loop3A_315 = arith.muli %parallel_loop3A_248, %parallel_loop3A_314 : i32
        %parallel_loop3A_316 = arith.constant 80 : i32
        %parallel_loop3A_317 = arith.addi %parallel_loop3A_315, %parallel_loop3A_316 : i32
        %parallel_loop3A_318 = arith.constant 2 : i32
        %parallel_loop3A_319 = arith.index_cast %parallel_loop3A_318 : i32 to index
        %parallel_loop3A_320 = arith.index_cast %parallel_loop3A_317 : i32 to index
        %parallel_loop3A_321 = tpu.vector_load %arg9[%parallel_loop3A_319, %parallel_loop3A_320] {strides = array<i32>} : memref<4x4096xi32, #tpu.memory_space<vmem>>, vector<16xi32>,
        %parallel_loop3A_322 = tpu.vector_load_idx %arg6[%parallel_loop3A_321] : memref<100000xi32, #tpu.memory_space<vmem>>[vector<16xi32>], vector<16xi32>,
        %parallel_loop3A_323 = arith.constant 0 : i32
        %parallel_loop3A_324 = arith.index_cast %parallel_loop3A_323 : i32 to index
        %parallel_loop3A_325 = arith.index_cast %parallel_loop3A_317 : i32 to index
        %parallel_loop3A_326 = tpu.vector_load %arg10[%parallel_loop3A_324, %parallel_loop3A_325] {strides = array<i32>} : memref<2x4096xi32, #tpu.memory_space<vmem>>, vector<16xi32>,
        tpu.vector_store %arg10[%parallel_loop3A_324, %parallel_loop3A_325], %parallel_loop3A_322 {strides = array<i32>} : memref<2x4096xi32, #tpu.memory_space<vmem>>, vector<16xi32>,
        %parallel_loop3A_327 = arith.constant 128 : i32
        %parallel_loop3A_328 = arith.muli %parallel_loop3A_248, %parallel_loop3A_327 : i32
        %parallel_loop3A_329 = arith.constant 96 : i32
        %parallel_loop3A_330 = arith.addi %parallel_loop3A_328, %parallel_loop3A_329 : i32
        %parallel_loop3A_331 = arith.constant 2 : i32
        %parallel_loop3A_332 = arith.index_cast %parallel_loop3A_331 : i32 to index
        %parallel_loop3A_333 = arith.index_cast %parallel_loop3A_330 : i32 to index
        %parallel_loop3A_334 = tpu.vector_load %arg9[%parallel_loop3A_332, %parallel_loop3A_333] {strides = array<i32>} : memref<4x4096xi32, #tpu.memory_space<vmem>>, vector<16xi32>,
        %parallel_loop3A_335 = tpu.vector_load_idx %arg6[%parallel_loop3A_334] : memref<100000xi32, #tpu.memory_space<vmem>>[vector<16xi32>], vector<16xi32>,
        %parallel_loop3A_336 = arith.constant 0 : i32
        %parallel_loop3A_337 = arith.index_cast %parallel_loop3A_336 : i32 to index
        %parallel_loop3A_338 = arith.index_cast %parallel_loop3A_330 : i32 to index
        %parallel_loop3A_339 = tpu.vector_load %arg10[%parallel_loop3A_337, %parallel_loop3A_338] {strides = array<i32>} : memref<2x4096xi32, #tpu.memory_space<vmem>>, vector<16xi32>,
        tpu.vector_store %arg10[%parallel_loop3A_337, %parallel_loop3A_338], %parallel_loop3A_335 {strides = array<i32>} : memref<2x4096xi32, #tpu.memory_space<vmem>>, vector<16xi32>,
        %parallel_loop3A_340 = arith.constant 128 : i32
        %parallel_loop3A_341 = arith.muli %parallel_loop3A_248, %parallel_loop3A_340 : i32
        %parallel_loop3A_342 = arith.constant 112 : i32
        %parallel_loop3A_343 = arith.addi %parallel_loop3A_341, %parallel_loop3A_342 : i32
        %parallel_loop3A_344 = arith.constant 2 : i32
        %parallel_loop3A_345 = arith.index_cast %parallel_loop3A_344 : i32 to index
        %parallel_loop3A_346 = arith.index_cast %parallel_loop3A_343 : i32 to index
        %parallel_loop3A_347 = tpu.vector_load %arg9[%parallel_loop3A_345, %parallel_loop3A_346] {strides = array<i32>} : memref<4x4096xi32, #tpu.memory_space<vmem>>, vector<16xi32>,
        %parallel_loop3A_348 = tpu.vector_load_idx %arg6[%parallel_loop3A_347] : memref<100000xi32, #tpu.memory_space<vmem>>[vector<16xi32>], vector<16xi32>,
        %parallel_loop3A_349 = arith.constant 0 : i32
        %parallel_loop3A_350 = arith.index_cast %parallel_loop3A_349 : i32 to index
        %parallel_loop3A_351 = arith.index_cast %parallel_loop3A_343 : i32 to index
        %parallel_loop3A_352 = tpu.vector_load %arg10[%parallel_loop3A_350, %parallel_loop3A_351] {strides = array<i32>} : memref<2x4096xi32, #tpu.memory_space<vmem>>, vector<16xi32>,
        tpu.vector_store %arg10[%parallel_loop3A_350, %parallel_loop3A_351], %parallel_loop3A_348 {strides = array<i32>} : memref<2x4096xi32, #tpu.memory_space<vmem>>, vector<16xi32>,
      } {sc.loop_unroll_factor = 1 : i64, sc.parallel_access}
      %mul3A_190 = arith.constant 32 : i32
      %mul3A_191 = arith.muli %add3A_161, %mul3A_190 : i32
      %add3A_192 = arith.addi %mul3A_191, %add3A : i32
      %mul3A_193 = arith.constant 4096 : i32
      %mul3A_194 = arith.muli %add3A_192, %mul3A_193 : i32
      %dma_start3A_195 = arith.constant 0 : i32
      %dma_start3A_196 = arith.constant 0 : i32
      %dma_start3A_197 = tpu.memref_slice %arg10[%dma_start3A_195, %dma_start3A_196] : memref<2x4096xi32, #tpu.memory_space<vmem>> -> memref<1x4096xi32, #tpu.memory_space<vmem>>
      %dma_start3A_198 = tpu.memref_squeeze %dma_start3A_197 : memref<1x4096xi32, #tpu.memory_space<vmem>> -> memref<4096xi32, #tpu.memory_space<vmem>>
      %dma_start3A_199 = tpu.memref_slice %arg5[%mul3A_194] : memref<26214400xi32, #tpu.memory_space<hbm>> -> memref<4096xi32, #tpu.memory_space<hbm>>
      %dma_start3A_200 = tpu.memref_slice %arg5[%mul3A_194] : memref<26214400xi32, #tpu.memory_space<hbm>> -> memref<4096xi32, #tpu.memory_space<hbm>>
      %dma_start3A_201 = arith.constant 0 : i32
      %dma_start3A_202 = tpu.memref_slice %arg10[%dma_start3A_195, %dma_start3A_201] : memref<2x4096xi32, #tpu.memory_space<vmem>> -> memref<1x4096xi32, #tpu.memory_space<vmem>>
      %dma_start3A_203 = tpu.memref_squeeze %dma_start3A_202 : memref<1x4096xi32, #tpu.memory_space<vmem>> -> memref<4096xi32, #tpu.memory_space<vmem>>
      tpu.enqueue_dma source(%dma_start3A_203 : memref<4096xi32, #tpu.memory_space<vmem>>) target(%dma_start3A_200 : memref<4096xi32, #tpu.memory_space<hbm>>) target_semaphore(%arg16 : memref<!tpu.dma_semaphore, #tpu.memory_space<semaphore_mem>>)
      %add3A_204 = arith.constant 3 : i32
      %add3A_205 = arith.addi %add3A_77, %add3A_204 : i32
      %add3A_206 = arith.constant 4 : i32
      %add3A_207 = arith.addi %add3A_205, %add3A_206 : i32
      %sub3A_208 = arith.constant 1 : i32
      %sub3A_209 = arith.subi %add3A_207, %sub3A_208 : i32
      %lt3A_210 = arith.constant 200 : i32
      %lt3A_211 = arith.cmpi slt, %sub3A_209, %lt3A_210 : i32
      %convert_element_type3A_212 = arith.extui %lt3A_211 : i1 to i32
      %cond3A_213 = arith.constant 0 : i32
      %cond3A_214 = arith.cmpi ne, %convert_element_type3A_212, %cond3A_213 : i32
      scf.if %cond3A_214 {
        %add3A_248 = arith.constant 4 : i32
        %add3A_249 = arith.addi %add3A_205, %add3A_248 : i32
        %sub3A_250 = arith.constant 1 : i32
        %sub3A_251 = arith.subi %add3A_249, %sub3A_250 : i32
        %mul3A_252 = arith.constant 4096 : i32
        %mul3A_253 = arith.muli %sub3A_251, %mul3A_252 : i32
        %dma_start3A_254 = arith.constant 2 : i32
        %dma_start3A_255 = arith.constant 0 : i32
        %dma_start3A_256 = tpu.memref_slice %arg9[%dma_start3A_254, %dma_start3A_255] : memref<4x4096xi32, #tpu.memory_space<vmem>> -> memref<1x4096xi32, #tpu.memory_space<vmem>>
        %dma_start3A_257 = tpu.memref_squeeze %dma_start3A_256 : memref<1x4096xi32, #tpu.memory_space<vmem>> -> memref<4096xi32, #tpu.memory_space<vmem>>
        %dma_start3A_258 = tpu.memref_slice %arg3[%mul3A_253] : memref<819200xi32, #tpu.memory_space<hbm>> -> memref<4096xi32, #tpu.memory_space<hbm>>
        %dma_start3A_259 = arith.constant 0 : i32
        %dma_start3A_260 = tpu.memref_slice %arg9[%dma_start3A_254, %dma_start3A_259] : memref<4x4096xi32, #tpu.memory_space<vmem>> -> memref<1x4096xi32, #tpu.memory_space<vmem>>
        %dma_start3A_261 = tpu.memref_squeeze %dma_start3A_260 : memref<1x4096xi32, #tpu.memory_space<vmem>> -> memref<4096xi32, #tpu.memory_space<vmem>>
        %dma_start3A_262 = tpu.memref_slice %arg3[%mul3A_253] : memref<819200xi32, #tpu.memory_space<hbm>> -> memref<4096xi32, #tpu.memory_space<hbm>>
        tpu.enqueue_dma source(%dma_start3A_262 : memref<4096xi32, #tpu.memory_space<hbm>>) target(%dma_start3A_261 : memref<4096xi32, #tpu.memory_space<vmem>>) target_semaphore(%arg14 : memref<!tpu.dma_semaphore, #tpu.memory_space<semaphore_mem>>)
      } else {
      }
      %mul3A_215 = arith.constant 4096 : i32
      %mul3A_216 = arith.muli %add3A_205, %mul3A_215 : i32
      %dma_wait3A_217 = arith.constant 3 : i32
      %dma_wait3A_218 = arith.constant 0 : i32
      %dma_wait3A_219 = tpu.memref_slice %arg9[%dma_wait3A_217, %dma_wait3A_218] : memref<4x4096xi32, #tpu.memory_space<vmem>> -> memref<1x4096xi32, #tpu.memory_space<vmem>>
      %dma_wait3A_220 = tpu.memref_squeeze %dma_wait3A_219 : memref<1x4096xi32, #tpu.memory_space<vmem>> -> memref<4096xi32, #tpu.memory_space<vmem>>
      %dma_wait3A_221 = tpu.memref_slice %arg3[%mul3A_216] : memref<819200xi32, #tpu.memory_space<hbm>> -> memref<4096xi32, #tpu.memory_space<hbm>>
      %dma_wait3A_222 = arith.constant 0 : i32
      %dma_wait3A_223 = tpu.memref_slice %arg9[%dma_wait3A_217, %dma_wait3A_222] : memref<4x4096xi32, #tpu.memory_space<vmem>> -> memref<1x4096xi32, #tpu.memory_space<vmem>>
      %dma_wait3A_224 = tpu.memref_squeeze %dma_wait3A_223 : memref<1x4096xi32, #tpu.memory_space<vmem>> -> memref<4096xi32, #tpu.memory_space<vmem>>
      %dma_wait3A_225 = tpu.memref_slice %arg3[%mul3A_216] : memref<819200xi32, #tpu.memory_space<hbm>> -> memref<4096xi32, #tpu.memory_space<hbm>>
      tpu.wait_dma2 semaphore(%arg15 : memref<!tpu.dma_semaphore, #tpu.memory_space<semaphore_mem>>) src(%dma_wait3A_225 : memref<4096xi32, #tpu.memory_space<hbm>>) dst(%dma_wait3A_224 : memref<4096xi32, #tpu.memory_space<vmem>>)
      %ge3A_226 = arith.constant 2 : i32
      %ge3A_227 = arith.cmpi sge, %add3A_205, %ge3A_226 : i32
      %convert_element_type3A_228 = arith.extui %ge3A_227 : i1 to i32
      %cond3A_229 = arith.constant 0 : i32
      %cond3A_230 = arith.cmpi ne, %convert_element_type3A_228, %cond3A_229 : i32
      scf.if %cond3A_230 {
        %sub3A_248 = arith.constant 2 : i32
        %sub3A_249 = arith.subi %add3A_205, %sub3A_248 : i32
        %mul3A_250 = arith.constant 32 : i32
        %mul3A_251 = arith.muli %sub3A_249, %mul3A_250 : i32
        %add3A_252 = arith.addi %mul3A_251, %add3A : i32
        %mul3A_253 = arith.constant 4096 : i32
        %mul3A_254 = arith.muli %add3A_252, %mul3A_253 : i32
        %dma_wait3A_255 = arith.constant 1 : i32
        %dma_wait3A_256 = arith.constant 0 : i32
        %dma_wait3A_257 = tpu.memref_slice %arg10[%dma_wait3A_255, %dma_wait3A_256] : memref<2x4096xi32, #tpu.memory_space<vmem>> -> memref<1x4096xi32, #tpu.memory_space<vmem>>
        %dma_wait3A_258 = tpu.memref_squeeze %dma_wait3A_257 : memref<1x4096xi32, #tpu.memory_space<vmem>> -> memref<4096xi32, #tpu.memory_space<vmem>>
        %dma_wait3A_259 = tpu.memref_slice %arg5[%mul3A_254] : memref<26214400xi32, #tpu.memory_space<hbm>> -> memref<4096xi32, #tpu.memory_space<hbm>>
        %dma_wait3A_260 = tpu.memref_slice %arg5[%mul3A_254] : memref<26214400xi32, #tpu.memory_space<hbm>> -> memref<4096xi32, #tpu.memory_space<hbm>>
        %dma_wait3A_261 = arith.constant 0 : i32
        %dma_wait3A_262 = tpu.memref_slice %arg10[%dma_wait3A_255, %dma_wait3A_261] : memref<2x4096xi32, #tpu.memory_space<vmem>> -> memref<1x4096xi32, #tpu.memory_space<vmem>>
        %dma_wait3A_263 = tpu.memref_squeeze %dma_wait3A_262 : memref<1x4096xi32, #tpu.memory_space<vmem>> -> memref<4096xi32, #tpu.memory_space<vmem>>
        tpu.wait_dma2 semaphore(%arg17 : memref<!tpu.dma_semaphore, #tpu.memory_space<semaphore_mem>>) src(%dma_wait3A_263 : memref<4096xi32, #tpu.memory_space<vmem>>) dst(%dma_wait3A_260 : memref<4096xi32, #tpu.memory_space<hbm>>)
      } else {
      }
      %parallel_loop3A_231 = arith.constant 0 : i32
      %parallel_loop3A_232 = arith.constant 32 : i32
      %parallel_loop3A_233 = arith.constant 1 : i32
      scf.for %parallel_loop3A_248 = %parallel_loop3A_231 to %parallel_loop3A_232 step %parallel_loop3A_233  : i32 {
        %parallel_loop3A_249 = arith.constant 128 : i32
        %parallel_loop3A_250 = arith.muli %parallel_loop3A_248, %parallel_loop3A_249 : i32
        %parallel_loop3A_251 = arith.constant 0 : i32
        %parallel_loop3A_252 = arith.addi %parallel_loop3A_250, %parallel_loop3A_251 : i32
        %parallel_loop3A_253 = arith.constant 3 : i32
        %parallel_loop3A_254 = arith.index_cast %parallel_loop3A_253 : i32 to index
        %parallel_loop3A_255 = arith.index_cast %parallel_loop3A_252 : i32 to index
        %parallel_loop3A_256 = tpu.vector_load %arg9[%parallel_loop3A_254, %parallel_loop3A_255] {strides = array<i32>} : memref<4x4096xi32, #tpu.memory_space<vmem>>, vector<16xi32>,
        %parallel_loop3A_257 = tpu.vector_load_idx %arg6[%parallel_loop3A_256] : memref<100000xi32, #tpu.memory_space<vmem>>[vector<16xi32>], vector<16xi32>,
        %parallel_loop3A_258 = arith.constant 1 : i32
        %parallel_loop3A_259 = arith.index_cast %parallel_loop3A_258 : i32 to index
        %parallel_loop3A_260 = arith.index_cast %parallel_loop3A_252 : i32 to index
        %parallel_loop3A_261 = tpu.vector_load %arg10[%parallel_loop3A_259, %parallel_loop3A_260] {strides = array<i32>} : memref<2x4096xi32, #tpu.memory_space<vmem>>, vector<16xi32>,
        tpu.vector_store %arg10[%parallel_loop3A_259, %parallel_loop3A_260], %parallel_loop3A_257 {strides = array<i32>} : memref<2x4096xi32, #tpu.memory_space<vmem>>, vector<16xi32>,
        %parallel_loop3A_262 = arith.constant 128 : i32
        %parallel_loop3A_263 = arith.muli %parallel_loop3A_248, %parallel_loop3A_262 : i32
        %parallel_loop3A_264 = arith.constant 16 : i32
        %parallel_loop3A_265 = arith.addi %parallel_loop3A_263, %parallel_loop3A_264 : i32
        %parallel_loop3A_266 = arith.constant 3 : i32
        %parallel_loop3A_267 = arith.index_cast %parallel_loop3A_266 : i32 to index
        %parallel_loop3A_268 = arith.index_cast %parallel_loop3A_265 : i32 to index
        %parallel_loop3A_269 = tpu.vector_load %arg9[%parallel_loop3A_267, %parallel_loop3A_268] {strides = array<i32>} : memref<4x4096xi32, #tpu.memory_space<vmem>>, vector<16xi32>,
        %parallel_loop3A_270 = tpu.vector_load_idx %arg6[%parallel_loop3A_269] : memref<100000xi32, #tpu.memory_space<vmem>>[vector<16xi32>], vector<16xi32>,
        %parallel_loop3A_271 = arith.constant 1 : i32
        %parallel_loop3A_272 = arith.index_cast %parallel_loop3A_271 : i32 to index
        %parallel_loop3A_273 = arith.index_cast %parallel_loop3A_265 : i32 to index
        %parallel_loop3A_274 = tpu.vector_load %arg10[%parallel_loop3A_272, %parallel_loop3A_273] {strides = array<i32>} : memref<2x4096xi32, #tpu.memory_space<vmem>>, vector<16xi32>,
        tpu.vector_store %arg10[%parallel_loop3A_272, %parallel_loop3A_273], %parallel_loop3A_270 {strides = array<i32>} : memref<2x4096xi32, #tpu.memory_space<vmem>>, vector<16xi32>,
        %parallel_loop3A_275 = arith.constant 128 : i32
        %parallel_loop3A_276 = arith.muli %parallel_loop3A_248, %parallel_loop3A_275 : i32
        %parallel_loop3A_277 = arith.constant 32 : i32
        %parallel_loop3A_278 = arith.addi %parallel_loop3A_276, %parallel_loop3A_277 : i32
        %parallel_loop3A_279 = arith.constant 3 : i32
        %parallel_loop3A_280 = arith.index_cast %parallel_loop3A_279 : i32 to index
        %parallel_loop3A_281 = arith.index_cast %parallel_loop3A_278 : i32 to index
        %parallel_loop3A_282 = tpu.vector_load %arg9[%parallel_loop3A_280, %parallel_loop3A_281] {strides = array<i32>} : memref<4x4096xi32, #tpu.memory_space<vmem>>, vector<16xi32>,
        %parallel_loop3A_283 = tpu.vector_load_idx %arg6[%parallel_loop3A_282] : memref<100000xi32, #tpu.memory_space<vmem>>[vector<16xi32>], vector<16xi32>,
        %parallel_loop3A_284 = arith.constant 1 : i32
        %parallel_loop3A_285 = arith.index_cast %parallel_loop3A_284 : i32 to index
        %parallel_loop3A_286 = arith.index_cast %parallel_loop3A_278 : i32 to index
        %parallel_loop3A_287 = tpu.vector_load %arg10[%parallel_loop3A_285, %parallel_loop3A_286] {strides = array<i32>} : memref<2x4096xi32, #tpu.memory_space<vmem>>, vector<16xi32>,
        tpu.vector_store %arg10[%parallel_loop3A_285, %parallel_loop3A_286], %parallel_loop3A_283 {strides = array<i32>} : memref<2x4096xi32, #tpu.memory_space<vmem>>, vector<16xi32>,
        %parallel_loop3A_288 = arith.constant 128 : i32
        %parallel_loop3A_289 = arith.muli %parallel_loop3A_248, %parallel_loop3A_288 : i32
        %parallel_loop3A_290 = arith.constant 48 : i32
        %parallel_loop3A_291 = arith.addi %parallel_loop3A_289, %parallel_loop3A_290 : i32
        %parallel_loop3A_292 = arith.constant 3 : i32
        %parallel_loop3A_293 = arith.index_cast %parallel_loop3A_292 : i32 to index
        %parallel_loop3A_294 = arith.index_cast %parallel_loop3A_291 : i32 to index
        %parallel_loop3A_295 = tpu.vector_load %arg9[%parallel_loop3A_293, %parallel_loop3A_294] {strides = array<i32>} : memref<4x4096xi32, #tpu.memory_space<vmem>>, vector<16xi32>,
        %parallel_loop3A_296 = tpu.vector_load_idx %arg6[%parallel_loop3A_295] : memref<100000xi32, #tpu.memory_space<vmem>>[vector<16xi32>], vector<16xi32>,
        %parallel_loop3A_297 = arith.constant 1 : i32
        %parallel_loop3A_298 = arith.index_cast %parallel_loop3A_297 : i32 to index
        %parallel_loop3A_299 = arith.index_cast %parallel_loop3A_291 : i32 to index
        %parallel_loop3A_300 = tpu.vector_load %arg10[%parallel_loop3A_298, %parallel_loop3A_299] {strides = array<i32>} : memref<2x4096xi32, #tpu.memory_space<vmem>>, vector<16xi32>,
        tpu.vector_store %arg10[%parallel_loop3A_298, %parallel_loop3A_299], %parallel_loop3A_296 {strides = array<i32>} : memref<2x4096xi32, #tpu.memory_space<vmem>>, vector<16xi32>,
        %parallel_loop3A_301 = arith.constant 128 : i32
        %parallel_loop3A_302 = arith.muli %parallel_loop3A_248, %parallel_loop3A_301 : i32
        %parallel_loop3A_303 = arith.constant 64 : i32
        %parallel_loop3A_304 = arith.addi %parallel_loop3A_302, %parallel_loop3A_303 : i32
        %parallel_loop3A_305 = arith.constant 3 : i32
        %parallel_loop3A_306 = arith.index_cast %parallel_loop3A_305 : i32 to index
        %parallel_loop3A_307 = arith.index_cast %parallel_loop3A_304 : i32 to index
        %parallel_loop3A_308 = tpu.vector_load %arg9[%parallel_loop3A_306, %parallel_loop3A_307] {strides = array<i32>} : memref<4x4096xi32, #tpu.memory_space<vmem>>, vector<16xi32>,
        %parallel_loop3A_309 = tpu.vector_load_idx %arg6[%parallel_loop3A_308] : memref<100000xi32, #tpu.memory_space<vmem>>[vector<16xi32>], vector<16xi32>,
        %parallel_loop3A_310 = arith.constant 1 : i32
        %parallel_loop3A_311 = arith.index_cast %parallel_loop3A_310 : i32 to index
        %parallel_loop3A_312 = arith.index_cast %parallel_loop3A_304 : i32 to index
        %parallel_loop3A_313 = tpu.vector_load %arg10[%parallel_loop3A_311, %parallel_loop3A_312] {strides = array<i32>} : memref<2x4096xi32, #tpu.memory_space<vmem>>, vector<16xi32>,
        tpu.vector_store %arg10[%parallel_loop3A_311, %parallel_loop3A_312], %parallel_loop3A_309 {strides = array<i32>} : memref<2x4096xi32, #tpu.memory_space<vmem>>, vector<16xi32>,
        %parallel_loop3A_314 = arith.constant 128 : i32
        %parallel_loop3A_315 = arith.muli %parallel_loop3A_248, %parallel_loop3A_314 : i32
        %parallel_loop3A_316 = arith.constant 80 : i32
        %parallel_loop3A_317 = arith.addi %parallel_loop3A_315, %parallel_loop3A_316 : i32
        %parallel_loop3A_318 = arith.constant 3 : i32
        %parallel_loop3A_319 = arith.index_cast %parallel_loop3A_318 : i32 to index
        %parallel_loop3A_320 = arith.index_cast %parallel_loop3A_317 : i32 to index
        %parallel_loop3A_321 = tpu.vector_load %arg9[%parallel_loop3A_319, %parallel_loop3A_320] {strides = array<i32>} : memref<4x4096xi32, #tpu.memory_space<vmem>>, vector<16xi32>,
        %parallel_loop3A_322 = tpu.vector_load_idx %arg6[%parallel_loop3A_321] : memref<100000xi32, #tpu.memory_space<vmem>>[vector<16xi32>], vector<16xi32>,
        %parallel_loop3A_323 = arith.constant 1 : i32
        %parallel_loop3A_324 = arith.index_cast %parallel_loop3A_323 : i32 to index
        %parallel_loop3A_325 = arith.index_cast %parallel_loop3A_317 : i32 to index
        %parallel_loop3A_326 = tpu.vector_load %arg10[%parallel_loop3A_324, %parallel_loop3A_325] {strides = array<i32>} : memref<2x4096xi32, #tpu.memory_space<vmem>>, vector<16xi32>,
        tpu.vector_store %arg10[%parallel_loop3A_324, %parallel_loop3A_325], %parallel_loop3A_322 {strides = array<i32>} : memref<2x4096xi32, #tpu.memory_space<vmem>>, vector<16xi32>,
        %parallel_loop3A_327 = arith.constant 128 : i32
        %parallel_loop3A_328 = arith.muli %parallel_loop3A_248, %parallel_loop3A_327 : i32
        %parallel_loop3A_329 = arith.constant 96 : i32
        %parallel_loop3A_330 = arith.addi %parallel_loop3A_328, %parallel_loop3A_329 : i32
        %parallel_loop3A_331 = arith.constant 3 : i32
        %parallel_loop3A_332 = arith.index_cast %parallel_loop3A_331 : i32 to index
        %parallel_loop3A_333 = arith.index_cast %parallel_loop3A_330 : i32 to index
        %parallel_loop3A_334 = tpu.vector_load %arg9[%parallel_loop3A_332, %parallel_loop3A_333] {strides = array<i32>} : memref<4x4096xi32, #tpu.memory_space<vmem>>, vector<16xi32>,
        %parallel_loop3A_335 = tpu.vector_load_idx %arg6[%parallel_loop3A_334] : memref<100000xi32, #tpu.memory_space<vmem>>[vector<16xi32>], vector<16xi32>,
        %parallel_loop3A_336 = arith.constant 1 : i32
        %parallel_loop3A_337 = arith.index_cast %parallel_loop3A_336 : i32 to index
        %parallel_loop3A_338 = arith.index_cast %parallel_loop3A_330 : i32 to index
        %parallel_loop3A_339 = tpu.vector_load %arg10[%parallel_loop3A_337, %parallel_loop3A_338] {strides = array<i32>} : memref<2x4096xi32, #tpu.memory_space<vmem>>, vector<16xi32>,
        tpu.vector_store %arg10[%parallel_loop3A_337, %parallel_loop3A_338], %parallel_loop3A_335 {strides = array<i32>} : memref<2x4096xi32, #tpu.memory_space<vmem>>, vector<16xi32>,
        %parallel_loop3A_340 = arith.constant 128 : i32
        %parallel_loop3A_341 = arith.muli %parallel_loop3A_248, %parallel_loop3A_340 : i32
        %parallel_loop3A_342 = arith.constant 112 : i32
        %parallel_loop3A_343 = arith.addi %parallel_loop3A_341, %parallel_loop3A_342 : i32
        %parallel_loop3A_344 = arith.constant 3 : i32
        %parallel_loop3A_345 = arith.index_cast %parallel_loop3A_344 : i32 to index
        %parallel_loop3A_346 = arith.index_cast %parallel_loop3A_343 : i32 to index
        %parallel_loop3A_347 = tpu.vector_load %arg9[%parallel_loop3A_345, %parallel_loop3A_346] {strides = array<i32>} : memref<4x4096xi32, #tpu.memory_space<vmem>>, vector<16xi32>,
        %parallel_loop3A_348 = tpu.vector_load_idx %arg6[%parallel_loop3A_347] : memref<100000xi32, #tpu.memory_space<vmem>>[vector<16xi32>], vector<16xi32>,
        %parallel_loop3A_349 = arith.constant 1 : i32
        %parallel_loop3A_350 = arith.index_cast %parallel_loop3A_349 : i32 to index
        %parallel_loop3A_351 = arith.index_cast %parallel_loop3A_343 : i32 to index
        %parallel_loop3A_352 = tpu.vector_load %arg10[%parallel_loop3A_350, %parallel_loop3A_351] {strides = array<i32>} : memref<2x4096xi32, #tpu.memory_space<vmem>>, vector<16xi32>,
        tpu.vector_store %arg10[%parallel_loop3A_350, %parallel_loop3A_351], %parallel_loop3A_348 {strides = array<i32>} : memref<2x4096xi32, #tpu.memory_space<vmem>>, vector<16xi32>,
      } {sc.loop_unroll_factor = 1 : i64, sc.parallel_access}
      %mul3A_234 = arith.constant 32 : i32
      %mul3A_235 = arith.muli %add3A_205, %mul3A_234 : i32
      %add3A_236 = arith.addi %mul3A_235, %add3A : i32
      %mul3A_237 = arith.constant 4096 : i32
      %mul3A_238 = arith.muli %add3A_236, %mul3A_237 : i32
      %dma_start3A_239 = arith.constant 1 : i32
      %dma_start3A_240 = arith.constant 0 : i32
      %dma_start3A_241 = tpu.memref_slice %arg10[%dma_start3A_239, %dma_start3A_240] : memref<2x4096xi32, #tpu.memory_space<vmem>> -> memref<1x4096xi32, #tpu.memory_space<vmem>>
      %dma_start3A_242 = tpu.memref_squeeze %dma_start3A_241 : memref<1x4096xi32, #tpu.memory_space<vmem>> -> memref<4096xi32, #tpu.memory_space<vmem>>
      %dma_start3A_243 = tpu.memref_slice %arg5[%mul3A_238] : memref<26214400xi32, #tpu.memory_space<hbm>> -> memref<4096xi32, #tpu.memory_space<hbm>>
      %dma_start3A_244 = tpu.memref_slice %arg5[%mul3A_238] : memref<26214400xi32, #tpu.memory_space<hbm>> -> memref<4096xi32, #tpu.memory_space<hbm>>
      %dma_start3A_245 = arith.constant 0 : i32
      %dma_start3A_246 = tpu.memref_slice %arg10[%dma_start3A_239, %dma_start3A_245] : memref<2x4096xi32, #tpu.memory_space<vmem>> -> memref<1x4096xi32, #tpu.memory_space<vmem>>
      %dma_start3A_247 = tpu.memref_squeeze %dma_start3A_246 : memref<1x4096xi32, #tpu.memory_space<vmem>> -> memref<4096xi32, #tpu.memory_space<vmem>>
      tpu.enqueue_dma source(%dma_start3A_247 : memref<4096xi32, #tpu.memory_space<vmem>>) target(%dma_start3A_244 : memref<4096xi32, #tpu.memory_space<hbm>>) target_semaphore(%arg17 : memref<!tpu.dma_semaphore, #tpu.memory_space<semaphore_mem>>)
    }
    %scan3A_47 = arith.constant 50 : i32
    %add3A_48 = arith.constant 6336 : i32
    %add3A_49 = arith.addi %add3A_48, %add3A : i32
    %mul3A_50 = arith.constant 4096 : i32
    %mul3A_51 = arith.muli %add3A_49, %mul3A_50 : i32
    %dma_wait3A = arith.constant 0 : i32
    %dma_wait3A_52 = arith.constant 0 : i32
    %dma_wait3A_53 = tpu.memref_slice %arg10[%dma_wait3A, %dma_wait3A_52] : memref<2x4096xi32, #tpu.memory_space<vmem>> -> memref<1x4096xi32, #tpu.memory_space<vmem>>
    %dma_wait3A_54 = tpu.memref_squeeze %dma_wait3A_53 : memref<1x4096xi32, #tpu.memory_space<vmem>> -> memref<4096xi32, #tpu.memory_space<vmem>>
    %dma_wait3A_55 = tpu.memref_slice %arg5[%mul3A_51] : memref<26214400xi32, #tpu.memory_space<hbm>> -> memref<4096xi32, #tpu.memory_space<hbm>>
    %dma_wait3A_56 = tpu.memref_slice %arg5[%mul3A_51] : memref<26214400xi32, #tpu.memory_space<hbm>> -> memref<4096xi32, #tpu.memory_space<hbm>>
    %dma_wait3A_57 = arith.constant 0 : i32
    %dma_wait3A_58 = tpu.memref_slice %arg10[%dma_wait3A, %dma_wait3A_57] : memref<2x4096xi32, #tpu.memory_space<vmem>> -> memref<1x4096xi32, #tpu.memory_space<vmem>>
    %dma_wait3A_59 = tpu.memref_squeeze %dma_wait3A_58 : memref<1x4096xi32, #tpu.memory_space<vmem>> -> memref<4096xi32, #tpu.memory_space<vmem>>
    tpu.wait_dma2 semaphore(%arg16 : memref<!tpu.dma_semaphore, #tpu.memory_space<semaphore_mem>>) src(%dma_wait3A_59 : memref<4096xi32, #tpu.memory_space<vmem>>) dst(%dma_wait3A_56 : memref<4096xi32, #tpu.memory_space<hbm>>)
    %add3A_60 = arith.constant 6368 : i32
    %add3A_61 = arith.addi %add3A_60, %add3A : i32
    %mul3A_62 = arith.constant 4096 : i32
    %mul3A_63 = arith.muli %add3A_61, %mul3A_62 : i32
    %dma_wait3A_64 = arith.constant 1 : i32
    %dma_wait3A_65 = arith.constant 0 : i32
    %dma_wait3A_66 = tpu.memref_slice %arg10[%dma_wait3A_64, %dma_wait3A_65] : memref<2x4096xi32, #tpu.memory_space<vmem>> -> memref<1x4096xi32, #tpu.memory_space<vmem>>
    %dma_wait3A_67 = tpu.memref_squeeze %dma_wait3A_66 : memref<1x4096xi32, #tpu.memory_space<vmem>> -> memref<4096xi32, #tpu.memory_space<vmem>>
    %dma_wait3A_68 = tpu.memref_slice %arg5[%mul3A_63] : memref<26214400xi32, #tpu.memory_space<hbm>> -> memref<4096xi32, #tpu.memory_space<hbm>>
    %dma_wait3A_69 = tpu.memref_slice %arg5[%mul3A_63] : memref<26214400xi32, #tpu.memory_space<hbm>> -> memref<4096xi32, #tpu.memory_space<hbm>>
    %dma_wait3A_70 = arith.constant 0 : i32
    %dma_wait3A_71 = tpu.memref_slice %arg10[%dma_wait3A_64, %dma_wait3A_70] : memref<2x4096xi32, #tpu.memory_space<vmem>> -> memref<1x4096xi32, #tpu.memory_space<vmem>>
    %dma_wait3A_72 = tpu.memref_squeeze %dma_wait3A_71 : memref<1x4096xi32, #tpu.memory_space<vmem>> -> memref<4096xi32, #tpu.memory_space<vmem>>
    tpu.wait_dma2 semaphore(%arg17 : memref<!tpu.dma_semaphore, #tpu.memory_space<semaphore_mem>>) src(%dma_wait3A_72 : memref<4096xi32, #tpu.memory_space<vmem>>) dst(%dma_wait3A_69 : memref<4096xi32, #tpu.memory_space<hbm>>)
    return
  }
}

module attributes {stable_mosaic.version = 14 : i64} {
  func.func @body(%arg0: i32, %arg1: memref<131072xi32, #tpu.memory_space<vmem>>, %arg2: memref<1x64x4096xbf16, #tpu.memory_space<vmem>>) attributes {dimension_semantics = [#tpu.dimension_semantics<arbitrary>], iteration_bounds = array<i64: 200>, scalar_prefetch = 0 : i64, scratch_operands = 0 : i64, tpu.core_type = #tpu.core_type<tc>, window_params = [{transform_indices = @transform_0, window_bounds = array<i64: 131072>}, {transform_indices = @transform_1, window_bounds = array<i64: 1, 64, 4096>}]} {
    %get3A = arith.constant 0 : index
    %get3A_0 = vector.load %arg1[%get3A] : memref<131072xi32, #tpu.memory_space<vmem>>, vector<131072xi32>
    %reshape3A = vector.shape_cast %get3A_0 : vector<131072xi32> to vector<32x4096xi32>
    %bitcast3A = tpu.bitcast %reshape3A : vector<32x4096xi32> -> vector<64x4096xbf16>
    %reshape3A_1 = vector.shape_cast %bitcast3A : vector<64x4096xbf16> to vector<1x64x4096xbf16>
    %swap3A = arith.constant 0 : index
    %swap3A_2 = arith.constant 0 : index
    %swap3A_3 = arith.constant 0 : index
    %swap3A_4 = vector.load %arg2[%swap3A, %swap3A_2, %swap3A_3] : memref<1x64x4096xbf16, #tpu.memory_space<vmem>>, vector<1x64x4096xbf16>
    tpu.vector_store %arg2[%swap3A, %swap3A_2, %swap3A_3], %reshape3A_1 {strides = array<i32>} : memref<1x64x4096xbf16, #tpu.memory_space<vmem>>, vector<1x64x4096xbf16>,
    return
  }
  func.func @transform_0(%arg0: i32) -> i32 {
    %c0_i32 = arith.constant 0 : i32
    return %arg0 : i32
  }
  func.func @transform_1(%arg0: i32) -> (i32, i32, i32) {
    %c0_i32 = arith.constant 0 : i32
    %c0_i32_0 = arith.constant 0 : i32
    %c0_i32_1 = arith.constant 0 : i32
    return %arg0, %c0_i32, %c0_i32_0 : i32, i32, i32
  }
}

</mosaic_0001>

<sc_bundles>
// kernel: kernel.4.cloned.1.call-start
scs
__scs_entry_jumppad:
0x0: {  	(pc) =	sbr.rel $0x88, $3  }
0x1: {  	(tag) =	ssettag $0x0;
	lr =	simm.s32 $0x1  }
0x2: {  	[smem:$0x3F9E] =	sst lr;
	_ =	strace $0xD0000000  }
0x3: {  	_ = 	snop  }
0x4: {  	_ = 	snop  }
0x5: {  	_ = 	snop  }
0x6: {  	_ = 	snop  }
0x7: {  	_ = 	snop  }
__scs_overlays_trampoline_lowered:
0x8: {  	[smem:$0x3FAD] =	sst s0  }
0x9: {  	[smem:$0x3FAE] =	sst s1  }
0xa: {  	[smem:$0x3FAF] =	sst s2  }
0xb: {  	[smem:$0x3FB0] =	sst s3  }
0xc: {  	[smem:$0x3FB1] =	sst s4  }
0xd: {  	[smem:$0x3FB2] =	sst s5  }
0xe: {  	[smem:$0x3FB3] =	sst s6  }
0xf: {  	[smem:$0x3FB4] =	sst s7  }
0x10: {  	[smem:$0x3FB5] =	sst s8  }
0x11: {  	[smem:$0x3FB6] =	sst s9;
	s0 =	simm.s32 @!p0 $0x0  }
0x12: {  	s1 =	sld [smem:$0x3F9C];
	s0 =	simm.s32 @p0 $0x1  }
0x13: {  	[smem:$0x3FB7] =	sst s0;
	s0 =	simm.s32 @!p1 $0x0  }
0x14: {  	s2 =	sld [smem:$0x3F9B];
	s0 =	simm.s32 @p1 $0x1  }
0x15: {  	[smem:$0x3FB8] =	sst s0;
	s0 =	simm.s32 @!p2 $0x0  }
0x16: {  	s3 =	sld [smem:$0x3FDB];
	s0 =	simm.s32 @p2 $0x1  }
0x17: {  	s4 =	simm.s32 $0x1BF5;
	[smem:$0x3FBA] =	sst s0  }
0x18: {  	s0 =	sld [smem:$0x3F9D];
	_ =	swait.ge [sflag:s4], $0x0  }
0x19: {  	s7 =	sld [smem:$0x3F9E]  }
0x1a: {  	s8 =	sadd.s32 $0xFFFFE003, lr  }
0x1b: {  	s9 =	sadd.s32 $0xFFFFFEF7, lr;
	s5 =	simm.s32 $0xFFFFFFFF;
	p2 =	slt.u32 s8, $0xFFFFF086  }
0x1c: {  	p1 =	slt.u32 s9, $0xF7A;
	s5 =	simm.s32 @!p2 $0x0  }
0x1d: {  	s5 =	simm.s32 @p1 $0x1;
	p0 =	seq.s32 s7, s2  }
0x1e: {  	s7 =	smul.u32 @!p0 $0xF7A, s2;
	p2 =	seq.s32 @!p0 s5, $0x0  }
0x1f: {  	s9 =	smul.u32 $0xF7A, s1;
	s8 =	simm.s32 @!p0 $0x1BF5;
	p2 =	por !p2, p0  }
0x20: {  	[sflag:s8] =	ssyncset.s32 @!p0 $0xFFFFF086;
	s6 =	sadd.s32 @!p0 s3, s7;
	s7 =	simm.s32 @!p0 $0x108  }
0x21: {  	s3 =	sadd.s32 s3, s9;
	s6 =	sadd.s32 @!p0 $0x88, s6;
	s7 =	simm.s32 @p2 $0x1082  }
0x22: {  	[simem:s7], [sflag:s8] =	dma.local @!p0 [hbm:s6], $0xF7A  }
0x23: {  	s9 =	sor.u32 $0xD0000000, s2;
	s6 =	simm.s32 $0x108;
	_ =	swait.ge @!p0 [sflag:s8], $0x0  }
0x24: {  	s3 =	sadd.s32 $0x88, s3;
	s6 =	simm.s32 @!p1 $0x1082;
	[sflag:s4] =	ssyncset.s32 $0xFFFFF086  }
0x25: {  	[simem:s6], [sflag:s4] =	dma.local [hbm:s3], $0xF7A  }
0x26: {  	[smem:$0x3F9E] =	sst s1;
	(tag) =	ssettag s2;
	_ =	strace s9  }
0x27: {  	s1 =	sld [smem:$0x3FAE]  }
0x28: {  	s2 =	sld [smem:$0x3FAF]  }
0x29: {  	s4 =	sld [smem:$0x3FB1]  }
0x2a: {  	p0 =	seq.s32 s5, $0x0;
	s5 =	sld [smem:$0x3FB2]  }
0x2b: {  	s6 =	sld [smem:$0x3FB3]  }
0x2c: {  	s7 =	sld [smem:$0x3FB4]  }
0x2d: {  	s3 =	simm.s32 $0x108;
	s8 =	sld [smem:$0x3FB5]  }
0x2e: {  	s3 =	simm.s32 @!p0 $0x1082;
	s9 =	sld [smem:$0x3FB6]  }
0x2f: {  	lr =	sadd.s32 s0, s3;
	s0 =	sld [smem:$0x3FAD]  }
0x30: {  	s3 =	sld [smem:$0x3FB0]  }
0x31: {  	[smem:$0x3FB9] =	sst s10  }
0x32: {  	s10 =	sld [smem:$0x3FB7];
	_ =	sdelay $0x3  }
0x33: {  	p0 =	seq.s32 s10, $0x1;
	s10 =	sld [smem:$0x3FB9];
	_ =	sdelay $0x3  }
0x34: {  	[smem:$0x3FB9] =	sst s10  }
0x35: {  	s10 =	sld [smem:$0x3FB8];
	_ =	sdelay $0x3  }
0x36: {  	p1 =	seq.s32 s10, $0x1;
	s10 =	sld [smem:$0x3FB9];
	_ =	sdelay $0x3  }
0x37: {  	[smem:$0x3FB9] =	sst s10  }
0x38: {  	s10 =	sld [smem:$0x3FBA]  }
0x39: {  	_ = 	snop;
	(pc) =	sbr.ind lr, $3  }
0x3a: {  	_ = 	snop  }
0x3b: {  	_ = 	snop  }
0x3c: {  	p2 =	seq.s32 s10, $0x1;
	s10 =	sld [smem:$0x3FB9]  }
0x3d: {  	_ =	shalt  }
0x3e: {  	_ =	shalt  }
0x3f: {  	_ =	shalt  }
0x40: {  	_ =	shalt  }
0x41: {  	_ =	shalt  }
0x42: {  	_ =	shalt  }
0x43: {  	_ =	shalt  }
0x44: {  	_ =	shalt  }
0x45: {  	_ =	shalt  }
0x46: {  	_ =	shalt  }
0x47: {  	_ =	shalt  }
0x48: {  	_ =	shalt  }
0x49: {  	_ =	shalt  }
0x4a: {  	_ =	shalt  }
0x4b: {  	_ =	shalt  }
0x4c: {  	_ =	shalt  }
0x4d: {  	_ =	shalt  }
0x4e: {  	_ =	shalt  }
0x4f: {  	_ =	shalt  }
0x50: {  	_ =	shalt  }
0x51: {  	_ =	shalt  }
0x52: {  	_ =	shalt  }
0x53: {  	_ =	shalt  }
0x54: {  	_ =	shalt  }
0x55: {  	_ =	shalt  }
0x56: {  	_ =	shalt  }
0x57: {  	_ =	shalt  }
0x58: {  	_ =	shalt  }
0x59: {  	_ =	shalt  }
0x5a: {  	_ =	shalt  }
0x5b: {  	_ =	shalt  }
0x5c: {  	_ =	shalt  }
0x5d: {  	_ =	shalt  }
0x5e: {  	_ =	shalt  }
0x5f: {  	_ =	shalt  }
0x60: {  	_ =	shalt  }
0x61: {  	_ =	shalt  }
0x62: {  	_ =	shalt  }
0x63: {  	_ =	shalt  }
0x64: {  	_ =	shalt  }
0x65: {  	_ =	shalt  }
0x66: {  	_ =	shalt  }
0x67: {  	_ =	shalt  }
0x68: {  	_ =	shalt  }
0x69: {  	_ =	shalt  }
0x6a: {  	_ =	shalt  }
0x6b: {  	_ =	shalt  }
0x6c: {  	_ =	shalt  }
0x6d: {  	_ =	shalt  }
0x6e: {  	_ =	shalt  }
0x6f: {  	_ =	shalt  }
0x70: {  	_ =	shalt  }
0x71: {  	_ =	shalt  }
0x72: {  	_ =	shalt  }
0x73: {  	_ =	shalt  }
0x74: {  	_ =	shalt  }
0x75: {  	_ =	shalt  }
0x76: {  	_ =	shalt  }
0x77: {  	_ =	shalt  }
0x78: {  	_ =	shalt  }
0x79: {  	_ =	shalt  }
0x7a: {  	_ =	shalt  }
0x7b: {  	_ =	shalt  }
0x7c: {  	_ =	shalt  }
0x7d: {  	_ =	shalt  }
0x7e: {  	_ =	shalt  }
0x7f: {  	_ =	shalt  }
0x80: {  	_ =	shalt  }
0x81: {  	_ =	shalt  }
0x82: {  	_ =	shalt  }
0x83: {  	_ =	shalt  }
0x84: {  	_ =	shalt  }
0x85: {  	_ =	shalt  }
0x86: {  	_ =	shalt  }
0x87: {  	_ =	shalt  }
.Lfunc_end0:
.L_simem_size_0:
called_computation_lowered:
.L_overlay_start_0:
0x88: {  	s2 =	sld [smem:$0x3FD9]  }
0x89: {  	s3 =	sld [smem:$0x3FFE];
	_ =	sdelay $0x1  }
0x8a: {  	s1 =	srdreg.scid  }
0x8b: {  	s0 =	sand.u32 $0x1, s1  }
0x8c: {  	s17 =	sshll.u32 s0, $0xA;
	s2 =	sadd.s32 s3, s2  }
0x8d: {  	s2 =	sadd.s32 s2, s17  }
0x8e: {  	[smem:$0x3FC5] =	sst s2  }
0x8f: {  	_ = 	snop  }
0x90: {  	s2 =	sld [smem:$0x3FC7]  }
0x91: {  	s18 =	sld [smem:$0x3FD0];
	(tm) =	ssettm $0x1  }
0x92: {  	s4 =	sld [smem:$0x3FFB];
	_ =	sdelay $0x3  }
0x93: {  	_ =	strace s4  }
0x94: {  	s4 =	sld [smem:$0x3FFC];
	_ =	sdelay $0x3  }
0x95: {  	_ =	strace s4  }
0x96: {  	s4 =	sld [smem:$0x3FFD];
	_ =	sdelay $0x3  }
0x97: {  	_ =	strace s4  }
0x98: {  	_ =	strace $0x8FFFFFFF  }
0x99: {  	s19 =	sld [smem:$0x3FDB];
	_ =	sdelay $0x1  }
0x9a: {  	s5 =	simm.s32 $_scs_section_size  }
0x9b: {  	s6 =	simm.s32 $_size__tile_overlayer_lowered;
	s7 =	simm.s32 $_tile_overlayer_lowered  }
0x9c: {  	s22 =	simm.s32 $0x1BFF;
	s21 =	sshll.u32 s7, $0x1;
	s4 =	sadd.s32 s5, s19  }
0x9d: {  	s8 =	simm.s32 $0x0;
	s20 =	sshll.u32 s6, $0x1;
	s6 =	sadd.s32 s21, s4  }
0x9e: {  	[timem:s8], [sflag:s22] =	dma.local [hbm:s6], s20  }
0x9f: {  	_ =	swait.ge [sflag:s22], s20  }
0xa0: {  	s5 =	ssub.s32 $0x0, s20;
	[sflag:s22] =	ssyncset.done $0x0  }
0xa1: {  	[sflag:s22] =	ssyncadd.s32 s5;
	_ =	sdelay $0x1  }
0xa2: {  	s23 =	simm.s32 $0x1B8B  }
0xa3: {  	_ =	swait.ge [sflag:s23], $0x1  }
0xa4: {  	[sflag:s23] =	ssyncset.done $0x0  }
0xa5: {  	s25 =	simm.s32 $0x1B8E;
	s24 =	sld [smem:$0x3FFE];
	[sflag:s23] =	ssyncadd.s32 $0xFFFFFFFF  }
0xa6: {  	s26 =	simm.s32 $execute0_lowered;
	[smem:$0x3FD2] =	sst s25  }
0xa7: {  	s6 =	sshll.u32 s26, $0x1;
	_ =	strace $0x80000046;
	[dreg:$0x1] =	wrdreg $0xFFFFFFFF  }
0xa8: {  	s28 =	simm.s32 $_size_execute0_lowered;
	s4 =	sadd.s32 s4, s6;
	[dreg:$0x0] =	wrdreg $0x0  }
0xa9: {  	s6 =	sshll.u32 s28, $0x1;
	[dreg:$0x2] =	wrdreg s4  }
0xaa: {  	[dreg:$0x3] =	wrdreg s6  }
0xab: {  	[dreg:$0x4] =	wrdreg $0xC0  }
0xac: {  	_ =	task [dreg:s8], $0x5FFFF  }
0xad: {  	[dreg:$0x1] =	wrdreg $0xFFFFFFFF  }
0xae: {  	[dreg:$0x0] =	wrdreg $0x60  }
0xaf: {  	[dreg:$0x2] =	wrdreg s18  }
0xb0: {  	[dreg:$0x3] =	wrdreg s24  }
0xb1: {  	[dreg:$0x4] =	wrdreg s2  }
0xb2: {  	[dreg:$0x5] =	wrdreg $0x9  }
0xb3: {  	_ =	task.clear_ibuf [dreg:s8], $0x6FFFF;
	_ =	strace $0x90000046  }
0xb4: {  	s29 =	simm.s32 $0x9;
	_ =	strace $0x80000048  }
0xb5: {  	_ =	swait.ge [sflag:s29], $0x1  }
0xb6: {  	[sflag:s29] =	ssyncadd.s32 $0xFFFFFFFF  }
0xb7: {  	_ =	strace $0x90000048  }
0xb8: {  	_ =	sfence  }
0xb9: {  	s30 =	sld [smem:$0x0];
	_ =	sdelay $0x2  }
0xba: {  	s31 =	sshll.u32 s1, $0xD;
	s1 =	sshrl.u32 s1, $0x2  }
0xbb: {  	s3 =	sand.u32 $0x4000, s31;
	s1 =	sadd.s32 s1, s30  }
0xbc: {  	s0 =	sor.u32 s3, s0;
	s1 =	sshll.u32 s1, $0x11  }
0xbd: {  	s0 =	sor.u32 s1, s0  }
0xbe: {  	s0 =	sadd.s32 $0x8F2B, s0  }
0xbf: {  	[sflag:s0] =	ssyncadd.remote.s32 $0x1  }
0xc0: {  	_ =	sfence.sel $0xFFFF  }
0xc1: {  	[dreg:$0x0] =	wrdreg $0xFFFFFFFF;
	(pc) =	sbr.abs _section_cstart, $3  }
0xc2: {  	[dreg:$0x1] =	wrdreg $0xFFFFFFFF  }
0xc3: {  	_ =	task.clear_ibuf [dreg:s8], $0x2FFFF;
	_ =	strace $0x9FFFFFFF  }
0xc4: {  	(tm) =	ssettm $0x7FFFFFFF  }
0xc5: {  	_ =	shalt  }
tec
execute0_lowered:
.L_overlay_start_1:
0x0: {  	(tag) =	ssettag $0x1  }
0x1: {  	s1 =	rddreg [dreg:$0x0]  }
0x2: {  	s0 =	rddreg [dreg:$0x1]  }
0x3: {  	s4 =	simm.s32 $0x0;
	s2 =	srdreg.scid;
	s3 =	stileid.u32  }
0x4: {  	s20 =	simm.s32 $0x7;
	s28 =	simm.s32 $0x1;
	s29 =	simm.s32 $0x1D640  }
0x5: {  	s30 =	simm.s32 $0x2;
	s31 =	simm.s32 $0x6;
	[smem:$0x7FF] =	sst s4  }
0x6: {  	s5 =	sadd.s32 $0x400, s0;
	s2 =	sand.u32 $0x1, s2;
	s3 =	sshll.u32 s3, $0x1  }
0x7: {  	s6 =	sadd.s32 $0x19400, s0;
	s11 =	sadd.s32 $0x600, s0;
	s24 =	sadd.s32 $0x800, s0  }
0x8: {  	s25 =	sadd.s32 $0xC00, s0;
	s13 =	sadd.s32 $0x1D400, s0;
	s14 =	sadd.s32 $0xE00, s0  }
0x9: {  	s15 =	sadd.s32 $0x21400, s0;
	_ =	strace $0x80000047;
	[dreg:$0x4] =	wrdreg s11  }
0xa: {  	s16 =	sadd.s32 $0x1000, s0;
	s0 =	simm.s32 $0x1E640;
	[dreg:$0x5] =	wrdreg s24  }
0xb: {  	s8 =	ssub.s32 $0x2, s2;
	s2 =	sor.u32 s2, s3;
	[dreg:$0x6] =	wrdreg s25  }
0xc: {  	s24 =	simm.s32 $0x4;
	s23 =	sshrl.u32 s8, $0x1;
	s9 =	sshllo.u32 s2, $0x1  }
0xd: {  	s7 =	smul.u32 $0x30D40, s2;
	s10 =	sshll.u32 s2, $0x1;
	s11 =	sshll.u32 s2, $0x9  }
0xe: {  	s2 =	simm.s32 $0x5;
	s3 =	ssub.s32 s8, s23;
	s8 =	smul.u32 $0x186A0, s9  }
0xf: {  	s17 =	sadd.s32 s6, s11;
	s23 =	simm.s32 $0x186A0;
	v1 =	vmov s10;
	s26 =	smax.u32 s3, $0x1  }
0x10: {  	v0 =	vmov s9;
	s10 =	simm.s32 $0x0;
	s3 =	simm.s32 $0x3;
	v1 =	vbroadcast v1, $0x0;
	[dreg:$0x7] =	wrdreg s26  }
.LBB2_1:
0x11: {  	[dreg:$0x8] =	wrdreg s10  }
0x12: {  	s9 =	rddreg [dreg:$0x2];
	s26 =	simm.s32 $0x1F640  }
0x13: {  	[tilespmem:s26], [sflag:$0x7] =	stream.linear.gather [hbm4b:s9+s4], $0x40, $0x38;
	[tilespmem:$0x1F680] =	vst v63  }
0x14: {  	_ =	swait.ge [sflag:s20], $0x40  }
0x15: {  	[sflag:s20] =	ssyncset.done $0x0  }
0x16: {  	[sflag:s20] =	ssyncadd.s32 $0xFFFFFFC0  }
0x17: {  	v2 =	vld.idx.msk [tilespmem:v1+s26+$0x0], $0xffff  }
0x18: {  	v3 =	vld.idx.msk [tilespmem:v0+s26+$0x0], $0xffff;
	_ =	sdelay $0x4  }
0x19: {  	s10 =	simm.s32 $0x0;
	s9 =	simm.s32 $0x20;
	v2 =	vpack.i.f32.bf16 v3, v2  }
.LBB2_2:
0x1a: {  	s12 =	smul.u32 $0x7D0, s10;
	_ =	sdelay $0x1  }
0x1b: {  	s18 =	sadd.s32 s7, s12  }
0x1c: {  	s18 =	sshrl.u32 s18, $0x3  }
0x1d: {  	s22 =	sadd.s32 s8, s12;
	s18 =	sadd.s32 s1, s18  }
0x1e: {  	[tilespmem:s23], [sflag:$0x7] =	stream.linear.gather [hbm4b:s18+s4], $0x7D0, $0x38;
	[tilespmem:$0x1F680] =	vst v63  }
0x1f: {  	s18 =	sshrl.u32 s22, $0x3  }
0x20: {  	s19 =	simm.s32 $0x18E70;
	s18 =	sadd.s32 s1, s18  }
0x21: {  	[tilespmem:s19], [sflag:$0x7] =	stream.linear.gather [hbm4b:s18+s4], $0x7D0, $0x38;
	[tilespmem:$0x1F680] =	vst v63  }
0x22: {  	_ =	swait.ge [sflag:s20], $0x7D0  }
0x23: {  	[sflag:s20] =	ssyncset.done $0x0  }
0x24: {  	[sflag:s20] =	ssyncadd.s32 $0xFFFFF830  }
0x25: {  	_ =	swait.ge [sflag:s20], $0x7D0  }
0x26: {  	[sflag:s20] =	ssyncset.done $0x0  }
0x27: {  	s25 =	simm.s32 $0x186C0;
	[sflag:s20] =	ssyncadd.s32 $0xFFFFF830  }
0x28: {  	s26 =	simm.s32 $0x18E90;
	v3 =	vld [tilespmem:s25+$0x10]  }
0x29: {  	v4 =	vld [tilespmem:s26+$0x10]  }
0x2a: {  	v5 =	vld [tilespmem:s26+$0xFFFFFFE0]  }
0x2b: {  	v6 =	vld [tilespmem:s25+$0xFFFFFFF0]  }
0x2c: {  	v7 =	vld [tilespmem:s26+$0xFFFFFFF0]  }
0x2d: {  	v8 =	vld [tilespmem:s25+$0x0]  }
0x2e: {  	v9 =	vld [tilespmem:s26+$0x0]  }
0x2f: {  	v10 =	vld [tilespmem:s25+$0xFFFFFFE0]  }
0x30: {  	s21 =	simm.s32 $0x18700  }
0x31: {  	s18 =	simm.s32 $0x18ED0;
	v11 =	vld [tilespmem:s21+$0x10]  }
0x32: {  	v12 =	vld [tilespmem:s18+$0x10];
	v3 =	vpack.i.f32.bf16 v4, v3  }
0x33: {  	v4 =	vpack.i.f32.bf16 v7, v6;
	v6 =	vld [tilespmem:s18+$0xFFFFFFF0];
	v13 =	vadd.bf16 v3, v2  }
0x34: {  	v8 =	vpack.i.f32.bf16 v9, v8;
	v9 =	vpack.i.f32.bf16 v5, v10;
	v5 =	vld [tilespmem:s21+$0x0];
	v7 =	vadd.bf16 v4, v2  }
0x35: {  	v4 =	vld [tilespmem:s21+$0xFFFFFFF0];
	v8 =	vadd.bf16 v8, v2;
	[tilespmem:s9+$0x10] =	vst v13  }
0x36: {  	v3 =	vld [tilespmem:s18+$0xFFFFFFE0];
	v10 =	vadd.bf16 v9, v2;
	[tilespmem:s9+$0xFFFFFFF0] =	vst v7  }
0x37: {  	v9 =	vpack.i.f32.bf16 v12, v11;
	v7 =	vld [tilespmem:s18+$0x0];
	[tilespmem:s9+$0x0] =	vst v8  }
0x38: {  	s22 =	simm.s32 $0x18740;
	s19 =	simm.s32 $0x4;
	v9 =	vadd.bf16 v9, v2;
	v8 =	vld [tilespmem:s21+$0xFFFFFFE0];
	[tilespmem:s9+$0xFFFFFFE0] =	vst v10;
	s21 =	smov.u32 s9  }
.LBB2_3:
0x39: {  	v10 =	vld [tilespmem:s22+$0x10];
	s18 =	sadd.s32 $0x40, s18;
	s21 =	sadd.s32 $0x40, s21  }
0x3a: {  	s19 =	sadd.s32 $0x4, s19;
	v11 =	vld [tilespmem:s18+$0x10];
	v4 =	vpack.i.f32.bf16 v6, v4;
	[tilespmem:s21+$0x10] =	vst v9  }
0x3b: {  	p0 =	slt.u32 s19, $0x78;
	v12 =	vld [tilespmem:s18+$0xFFFFFFE0];
	v9 =	vadd.bf16 v4, v2  }
.Ltmp0:
0x3c: {  	v4 =	vld [tilespmem:s22+$0xFFFFFFF0];
	v5 =	vpack.i.f32.bf16 v7, v5;
	(pc) =	sbr.rel @p0 .LBB2_3-.Ltmp0, $4  }
0x3d: {  	v6 =	vld [tilespmem:s18+$0xFFFFFFF0];
	v3 =	vpack.i.f32.bf16 v3, v8;
	[tilespmem:s21+$0xFFFFFFF0] =	vst v9;
	v8 =	vadd.bf16 v5, v2  }
0x3e: {  	v5 =	vld [tilespmem:s22+$0x0];
	v13 =	vadd.bf16 v3, v2  }
0x3f: {  	v7 =	vld [tilespmem:s18+$0x0];
	v9 =	vpack.i.f32.bf16 v11, v10;
	[tilespmem:s21+$0x0] =	vst v8  }
0x40: {  	v8 =	vld [tilespmem:s22+$0xFFFFFFE0];
	v9 =	vadd.bf16 v9, v2;
	s22 =	sadd.s32 $0x40, s22;
	[tilespmem:s21+$0xFFFFFFE0] =	vst v13;
	v3 =	vmov v12  }
0x41: {  	_ =	sdelay $0x1  }
0x42: {  	v4 =	vpack.i.f32.bf16 v6, v4  }
0x43: {  	s18 =	sadd.s32 $0x40, s21;
	v4 =	vadd.bf16 v4, v2;
	v5 =	vpack.i.f32.bf16 v7, v5  }
0x44: {  	[tilespmem:s18+$0x10] =	vst v9;
	v3 =	vpack.i.f32.bf16 v3, v8;
	v5 =	vadd.bf16 v5, v2  }
0x45: {  	[tilespmem:s18+$0xFFFFFFF0] =	vst v4;
	v3 =	vadd.bf16 v3, v2  }
0x46: {  	[tilespmem:s18+$0x0] =	vst v5  }
0x47: {  	[tilespmem:s18+$0xFFFFFFE0] =	vst v3  }
0x48: {  	v3 =	vld [tilespmem:$0x18E60]  }
0x49: {  	v4 =	vld [tilespmem:$0x19630];
	_ =	sdelay $0x1  }
0x4a: {  	s10 =	sadd.s32 $0x1, s10  }
0x4b: {  	p0 =	sne.s32 s10, $0x32  }
.Ltmp1:
0x4c: {  	_ = 	snop;
	(pc) =	sbr.rel @p0 .LBB2_2-.Ltmp1, $3  }
0x4d: {  	v3 =	vpack.i.f32.bf16 v4, v3  }
0x4e: {  	v3 =	vadd.bf16 v3, v2;
	_ =	sdelay $0x1  }
0x4f: {  	s9 =	sadd.s32 $0x7D0, s9;
	[tilespmem:s12+$0x7C0] =	vst v3  }
0x50: {  	s9 =	simm.s32 $0x0;
	s10 =	simm.s32 $0x19640  }
0x51: {  	[tilespmem:s10], [sflag:$0x1] =	stream.linear.gather [hbm4b:s5+s9], $0x1000, $0x38;
	[tilespmem:$0x1F680] =	vst v63  }
0x52: {  	s23 =	rddreg [dreg:$0x4];
	s12 =	simm.s32 $0x1A640  }
0x53: {  	[tilespmem:s12], [sflag:$0x2] =	stream.linear.gather [hbm4b:s23+s9], $0x1000, $0x38;
	[tilespmem:$0x1F680] =	vst v63  }
0x54: {  	s25 =	rddreg [dreg:$0x5];
	s26 =	simm.s32 $0x1B640  }
0x55: {  	[tilespmem:s26], [sflag:$0x3] =	stream.linear.gather [hbm4b:s25+s9], $0x1000, $0x38;
	[tilespmem:$0x1F680] =	vst v63  }
.LBB2_6:
0x56: {  	s10 =	sshllo.u32 s9, $0x2  }
0x57: {  	s12 =	sshll.u32 s10, $0x9  }
0x58: {  	s18 =	simm.s32 $0x1C640;
	s12 =	sadd.s32 s5, s12  }
0x59: {  	[tilespmem:s18], [sflag:$0x4] =	stream.linear.gather [hbm4b:s12+s4], $0x1000, $0x38;
	[tilespmem:$0x1F680] =	vst v63  }
0x5a: {  	_ =	swait.ge [sflag:s28], $0x1000  }
0x5b: {  	p0 =	seq.s32 s9, $0x0;
	[sflag:s28] =	ssyncset.done $0x0  }
0x5c: {  	s12 =	simm.s32 @!p0 $0x5;
	[sflag:s28] =	ssyncadd.s32 $0xFFFFF000  }
0x5d: {  	_ =	swait.ge @!p0 [sflag:s12], $0x1000  }
0x5e: {  	[sflag:s12] =	ssyncset.done @!p0 $0x0  }
0x5f: {  	s18 =	simm.s32 $0x0;
	[sflag:s12] =	ssyncadd.s32 @!p0 $0xFFFFF000  }
0x60: {  	v2 =	vld [tilespmem:s18+$0x19640];
	_ =	sdelay $0x6  }
0x61: {  	v3 =	vld [tilespmem:s18+$0x19650]  }
0x62: {  	v2 =	vld.idx.msk [tilespmem:v2+s4+$0x0], $0xffff;
	_ =	sdelay $0x1  }
0x63: {  	s19 =	simm.s32 $0x80  }
0x64: {  	v4 =	vld [tilespmem:s19+$0x19640];
	_ =	sdelay $0x1  }
0x65: {  	[tilespmem:s18+$0x1D640] =	vst v2;
	v2 =	vld [tilespmem:s18+$0x19660];
	_ =	sdelay $0x1  }
0x66: {  	v3 =	vld.idx.msk [tilespmem:v3+s4+$0x0], $0xffff;
	_ =	sdelay $0x2  }
0x67: {  	v5 =	vld [tilespmem:s19+$0x19650]  }
0x68: {  	v4 =	vld.idx.msk [tilespmem:v4+s4+$0x0], $0xffff  }
0x69: {  	[tilespmem:s18+$0x1D650] =	vst v3;
	v3 =	vld [tilespmem:s18+$0x19670]  }
0x6a: {  	v2 =	vld.idx.msk [tilespmem:v2+s4+$0x0], $0xffff;
	_ =	sdelay $0x3  }
0x6b: {  	[tilespmem:s19+$0x1D640] =	vst v4;
	v4 =	vld [tilespmem:s19+$0x19660]  }
0x6c: {  	[tilespmem:s18+$0x1D660] =	vst v2;
	v2 =	vld [tilespmem:s18+$0x19680]  }
0x6d: {  	v5 =	vld.idx.msk [tilespmem:v5+s4+$0x0], $0xffff  }
0x6e: {  	s23 =	simm.s32 $0x100;
	v3 =	vld.idx.msk [tilespmem:v3+s4+$0x0], $0xffff  }
0x6f: {  	v6 =	vld [tilespmem:s23+$0x19640];
	_ =	sdelay $0x2  }
0x70: {  	[tilespmem:s19+$0x1D650] =	vst v5;
	v5 =	vld [tilespmem:s19+$0x19670]  }
0x71: {  	[tilespmem:s18+$0x1D670] =	vst v3;
	v3 =	vld [tilespmem:s18+$0x19690]  }
0x72: {  	v2 =	vld.idx.msk [tilespmem:v2+s4+$0x0], $0xffff  }
0x73: {  	v4 =	vld.idx.msk [tilespmem:v4+s4+$0x0], $0xffff  }
0x74: {  	v7 =	vld [tilespmem:s23+$0x19650]  }
0x75: {  	v6 =	vld.idx.msk [tilespmem:v6+s4+$0x0], $0xffff;
	_ =	sdelay $0x1  }
0x76: {  	[tilespmem:s18+$0x1D680] =	vst v2;
	v2 =	vld [tilespmem:s18+$0x196A0]  }
0x77: {  	[tilespmem:s19+$0x1D660] =	vst v4;
	v4 =	vld [tilespmem:s19+$0x19680]  }
0x78: {  	v3 =	vld.idx.msk [tilespmem:v3+s4+$0x0], $0xffff  }
0x79: {  	[tilespmem:s23+$0x1D640] =	vst v6;
	v6 =	vld [tilespmem:s23+$0x19660]  }
0x7a: {  	v5 =	vld.idx.msk [tilespmem:v5+s4+$0x0], $0xffff  }
0x7b: {  	s21 =	simm.s32 $0x800;
	s12 =	simm.s32 $0x180;
	v7 =	vld.idx.msk [tilespmem:v7+s4+$0x0], $0xffff  }
.LBB2_7:
0x7c: {  	p1 =	sne.s32 s21, $0x3E00;
	v8 =	vld [tilespmem:s12+$0x19640];
	s22 =	smov.u32 s19;
	s19 =	smov.u32 s23  }
0x7d: {  	s23 =	smov.u32 s12;
	[tilespmem:s18+$0x1D690] =	vst v3;
	v3 =	vld [tilespmem:s18+$0x196B0]  }
0x7e: {  	v2 =	vld.idx.msk [tilespmem:v2+s4+$0x0], $0xffff  }
0x7f: {  	[tilespmem:s22+$0x1D670] =	vst v5;
	v5 =	vld [tilespmem:s22+$0x19690]  }
0x80: {  	v4 =	vld.idx.msk [tilespmem:v4+s4+$0x0], $0xffff  }
0x81: {  	[tilespmem:s19+$0x1D650] =	vst v7;
	v7 =	vld [tilespmem:s19+$0x19670]  }
0x82: {  	v6 =	vld.idx.msk [tilespmem:v6+s4+$0x0], $0xffff  }
0x83: {  	v9 =	vld [tilespmem:s23+$0x19650]  }
0x84: {  	v8 =	vld.idx.msk [tilespmem:v8+s4+$0x0], $0xffff;
	[tilespmem:s18+$0x1D6A0] =	vst v2  }
0x85: {  	v10 =	vld.idx.msk [tilespmem:v3+s4+$0x0], $0xffff  }
0x86: {  	[tilespmem:s22+$0x1D680] =	vst v4;
	v2 =	vld [tilespmem:s22+$0x196A0]  }
.Ltmp2:
0x87: {  	v3 =	vld.idx.msk [tilespmem:v5+s4+$0x0], $0xffff;
	(pc) =	sbr.rel @p1 .LBB2_7-.Ltmp2, $4  }
0x88: {  	[tilespmem:s19+$0x1D660] =	vst v6;
	v4 =	vld [tilespmem:s19+$0x19680]  }
0x89: {  	v5 =	vld.idx.msk [tilespmem:v7+s4+$0x0], $0xffff  }
0x8a: {  	[tilespmem:s23+$0x1D640] =	vst v8;
	v6 =	vld [tilespmem:s23+$0x19660]  }
0x8b: {  	s12 =	sshra.s32 s21, $0x2;
	s21 =	sadd.s32 $0x200, s21;
	v7 =	vld.idx.msk [tilespmem:v9+s4+$0x0], $0xffff;
	[tilespmem:s18+$0x1D6B0] =	vst v10;
	s18 =	smov.u32 s22  }
0x8c: {  	v8 =	vld [tilespmem:s12+$0x19640];
	_ =	sdelay $0x5  }
0x8d: {  	v9 =	vld [tilespmem:s12+$0x19650];
	_ =	sdelay $0x1  }
0x8e: {  	v8 =	vld.idx.msk [tilespmem:v8+s4+$0x0], $0xffff;
	_ =	sdelay $0x3  }
0x8f: {  	v49 =	vld [tilespmem:s12+$0x19660]  }
0x90: {  	[tilespmem:s12+$0x1D640] =	vst v8  }
0x91: {  	v9 =	vld.idx.msk [tilespmem:v9+s4+$0x0], $0xffff;
	_ =	sdelay $0x2  }
0x92: {  	v50 =	vld [tilespmem:s23+$0x19670]  }
0x93: {  	v51 =	vld [tilespmem:s12+$0x19670];
	[tilespmem:s23+$0x1D650] =	vst v7  }
0x94: {  	v6 =	vld.idx.msk [tilespmem:v6+s4+$0x0], $0xffff;
	[tilespmem:s12+$0x1D650] =	vst v9  }
0x95: {  	v8 =	vld.idx.msk [tilespmem:v49+s4+$0x0], $0xffff;
	_ =	sdelay $0x1  }
0x96: {  	v52 =	vld [tilespmem:s23+$0x19680]  }
0x97: {  	v53 =	vld [tilespmem:s12+$0x19680]  }
0x98: {  	v54 =	vld [tilespmem:s19+$0x19690];
	[tilespmem:s23+$0x1D660] =	vst v6  }
0x99: {  	v7 =	vld.idx.msk [tilespmem:v50+s4+$0x0], $0xffff;
	[tilespmem:s12+$0x1D660] =	vst v8  }
0x9a: {  	v9 =	vld.idx.msk [tilespmem:v51+s4+$0x0], $0xffff  }
0x9b: {  	v55 =	vld [tilespmem:s23+$0x19690]  }
0x9c: {  	v56 =	vld [tilespmem:s12+$0x19690]  }
0x9d: {  	v57 =	vld [tilespmem:s19+$0x196A0];
	[tilespmem:s19+$0x1D670] =	vst v5  }
0x9e: {  	v4 =	vld.idx.msk [tilespmem:v4+s4+$0x0], $0xffff;
	[tilespmem:s23+$0x1D670] =	vst v7  }
0x9f: {  	v6 =	vld.idx.msk [tilespmem:v52+s4+$0x0], $0xffff;
	[tilespmem:s12+$0x1D670] =	vst v9  }
0xa0: {  	v8 =	vld.idx.msk [tilespmem:v53+s4+$0x0], $0xffff  }
0xa1: {  	v58 =	vld [tilespmem:s23+$0x196A0]  }
0xa2: {  	v59 =	vld [tilespmem:s12+$0x196A0]  }
0xa3: {  	v60 =	vld [tilespmem:s18+$0x196B0];
	[tilespmem:s19+$0x1D680] =	vst v4  }
0xa4: {  	v5 =	vld.idx.msk [tilespmem:v54+s4+$0x0], $0xffff;
	[tilespmem:s23+$0x1D680] =	vst v6  }
0xa5: {  	v7 =	vld.idx.msk [tilespmem:v55+s4+$0x0], $0xffff;
	[tilespmem:s12+$0x1D680] =	vst v8  }
0xa6: {  	[tilespmem:s18+$0x1D690] =	vst v3;
	v3 =	vld.idx.msk [tilespmem:v56+s4+$0x0], $0xffff  }
0xa7: {  	v61 =	vld [tilespmem:s19+$0x196B0]  }
0xa8: {  	v62 =	vld [tilespmem:s23+$0x196B0]  }
0xa9: {  	v2 =	vld.idx.msk [tilespmem:v2+s4+$0x0], $0xffff;
	[tilespmem:s19+$0x1D690] =	vst v5  }
0xaa: {  	v4 =	vld.idx.msk [tilespmem:v57+s4+$0x0], $0xffff;
	[tilespmem:s23+$0x1D690] =	vst v7  }
0xab: {  	[tilespmem:s12+$0x1D690] =	vst v3;
	v3 =	vld [tilespmem:s12+$0x196B0]  }
0xac: {  	v6 =	vld.idx.msk [tilespmem:v58+s4+$0x0], $0xffff  }
0xad: {  	v8 =	vld.idx.msk [tilespmem:v59+s4+$0x0], $0xffff;
	_ =	sdelay $0x1  }
0xae: {  	[tilespmem:s18+$0x1D6A0] =	vst v2  }
0xaf: {  	v2 =	vld.idx.msk [tilespmem:v60+s4+$0x0], $0xffff;
	[tilespmem:s19+$0x1D6A0] =	vst v4  }
0xb0: {  	v4 =	vld.idx.msk [tilespmem:v61+s4+$0x0], $0xffff;
	[tilespmem:s23+$0x1D6A0] =	vst v6  }
0xb1: {  	v63 =	vld.idx.msk [tilespmem:v62+s4+$0x0], $0xffff;
	[tilespmem:s12+$0x1D6A0] =	vst v8  }
0xb2: {  	v3 =	vld.idx.msk [tilespmem:v3+s4+$0x0], $0xffff  }
0xb3: {  	p1 =	sne.s32 s9, $0x31  }
.Ltmp3:
0xb4: {  	[tilespmem:s18+$0x1D6B0] =	vst v2;
	(pc) =	sbr.rel @p1 .LBB2_10-.Ltmp3, $4  }
0xb5: {  	s25 =	sshll.u32 s9, $0x10;
	[tilespmem:s19+$0x1D6B0] =	vst v4  }
0xb6: {  	s18 =	sor.u32 s11, s25;
	[tilespmem:s23+$0x1D6B0] =	vst v63  }
0xb7: {  	s26 =	sadd.s32 s6, s18;
	[tilespmem:s12+$0x1D6B0] =	vst v3  }
0xb8: {  	[hbm4b:s26+s4] =	stream.linear.scatter [tilespmem:s29], [sflag:$0x5], $0x1000, $0x38;
	[tilespmem:$0x1F680] =	vst v63  }
.Ltmp4:
0xb9: {  	(pc) =	sbr.rel .LBB2_11-.Ltmp4, $4  }
0xba: {  	_ = 	snop  }
0xbb: {  	_ =	swait.ge [sflag:s30], $0x1000  }
0xbc: {  	[sflag:s30] =	ssyncset.done $0x0  }
0xbd: {  	[sflag:s30] =	ssyncadd.s32 $0xFFFFF000  }
.LBB2_10:
0xbe: {  	s12 =	sshll.u32 s9, $0xB;
	s19 =	rddreg [dreg:$0x6]  }
.Ltmp5:
0xbf: {  	s26 =	simm.s32 $0x19640;
	s12 =	sadd.s32 s12, s19;
	(pc) =	sbr.rel @p0 .LBB2_12-.Ltmp5, $4  }
0xc0: {  	[tilespmem:s26], [sflag:$0x1] =	stream.linear.gather [hbm4b:s12+s4], $0x1000, $0x38;
	[tilespmem:$0x1F680] =	vst v63  }
0xc1: {  	_ =	swait.ge [sflag:s30], $0x1000  }
0xc2: {  	[sflag:s30] =	ssyncset.done $0x0  }
0xc3: {  	[sflag:s30] =	ssyncadd.s32 $0xFFFFF000  }
.LBB2_11:
0xc4: {  	_ =	swait.ge [sflag:s31], $0x1000  }
0xc5: {  	[sflag:s31] =	ssyncset.done $0x0  }
0xc6: {  	[sflag:s31] =	ssyncadd.s32 $0xFFFFF000  }
.LBB2_12:
0xc7: {  	s19 =	simm.s32 $0x0  }
0xc8: {  	v2 =	vld [tilespmem:s19+$0x1A640];
	_ =	sdelay $0x6  }
0xc9: {  	v3 =	vld [tilespmem:s19+$0x1A650]  }
0xca: {  	v2 =	vld.idx.msk [tilespmem:v2+s4+$0x0], $0xffff;
	_ =	sdelay $0x1  }
0xcb: {  	s25 =	simm.s32 $0x80  }
0xcc: {  	v4 =	vld [tilespmem:s25+$0x1A640];
	_ =	sdelay $0x1  }
0xcd: {  	[tilespmem:s19+$0x1E640] =	vst v2;
	v2 =	vld [tilespmem:s19+$0x1A660];
	_ =	sdelay $0x1  }
0xce: {  	v3 =	vld.idx.msk [tilespmem:v3+s4+$0x0], $0xffff;
	_ =	sdelay $0x2  }
0xcf: {  	v5 =	vld [tilespmem:s25+$0x1A650]  }
0xd0: {  	v4 =	vld.idx.msk [tilespmem:v4+s4+$0x0], $0xffff  }
0xd1: {  	[tilespmem:s19+$0x1E650] =	vst v3;
	v3 =	vld [tilespmem:s19+$0x1A670]  }
0xd2: {  	v2 =	vld.idx.msk [tilespmem:v2+s4+$0x0], $0xffff;
	_ =	sdelay $0x3  }
0xd3: {  	[tilespmem:s25+$0x1E640] =	vst v4;
	v4 =	vld [tilespmem:s25+$0x1A660]  }
0xd4: {  	[tilespmem:s19+$0x1E660] =	vst v2;
	v2 =	vld [tilespmem:s19+$0x1A680]  }
0xd5: {  	v5 =	vld.idx.msk [tilespmem:v5+s4+$0x0], $0xffff  }
0xd6: {  	s23 =	simm.s32 $0x100;
	v3 =	vld.idx.msk [tilespmem:v3+s4+$0x0], $0xffff  }
0xd7: {  	v6 =	vld [tilespmem:s23+$0x1A640];
	_ =	sdelay $0x2  }
0xd8: {  	[tilespmem:s25+$0x1E650] =	vst v5;
	v5 =	vld [tilespmem:s25+$0x1A670]  }
0xd9: {  	[tilespmem:s19+$0x1E670] =	vst v3;
	v3 =	vld [tilespmem:s19+$0x1A690]  }
0xda: {  	v2 =	vld.idx.msk [tilespmem:v2+s4+$0x0], $0xffff  }
0xdb: {  	v4 =	vld.idx.msk [tilespmem:v4+s4+$0x0], $0xffff  }
0xdc: {  	v7 =	vld [tilespmem:s23+$0x1A650]  }
0xdd: {  	v6 =	vld.idx.msk [tilespmem:v6+s4+$0x0], $0xffff;
	_ =	sdelay $0x1  }
0xde: {  	[tilespmem:s19+$0x1E680] =	vst v2;
	v2 =	vld [tilespmem:s19+$0x1A6A0]  }
0xdf: {  	[tilespmem:s25+$0x1E660] =	vst v4;
	v4 =	vld [tilespmem:s25+$0x1A680]  }
0xe0: {  	v3 =	vld.idx.msk [tilespmem:v3+s4+$0x0], $0xffff  }
0xe1: {  	[tilespmem:s23+$0x1E640] =	vst v6;
	v6 =	vld [tilespmem:s23+$0x1A660]  }
0xe2: {  	v5 =	vld.idx.msk [tilespmem:v5+s4+$0x0], $0xffff  }
0xe3: {  	s12 =	simm.s32 $0x180;
	s21 =	simm.s32 $0x800;
	v7 =	vld.idx.msk [tilespmem:v7+s4+$0x0], $0xffff  }
.LBB2_13:
0xe4: {  	p0 =	sne.s32 s21, $0x3E00;
	v8 =	vld [tilespmem:s12+$0x1A640];
	s22 =	smov.u32 s25;
	s25 =	smov.u32 s23  }
0xe5: {  	s23 =	smov.u32 s12;
	[tilespmem:s19+$0x1E690] =	vst v3;
	v3 =	vld [tilespmem:s19+$0x1A6B0]  }
0xe6: {  	v2 =	vld.idx.msk [tilespmem:v2+s4+$0x0], $0xffff  }
0xe7: {  	[tilespmem:s22+$0x1E670] =	vst v5;
	v5 =	vld [tilespmem:s22+$0x1A690]  }
0xe8: {  	v4 =	vld.idx.msk [tilespmem:v4+s4+$0x0], $0xffff  }
0xe9: {  	[tilespmem:s25+$0x1E650] =	vst v7;
	v7 =	vld [tilespmem:s25+$0x1A670]  }
0xea: {  	v6 =	vld.idx.msk [tilespmem:v6+s4+$0x0], $0xffff  }
0xeb: {  	v9 =	vld [tilespmem:s23+$0x1A650]  }
0xec: {  	v8 =	vld.idx.msk [tilespmem:v8+s4+$0x0], $0xffff;
	[tilespmem:s19+$0x1E6A0] =	vst v2  }
0xed: {  	v10 =	vld.idx.msk [tilespmem:v3+s4+$0x0], $0xffff  }
0xee: {  	[tilespmem:s22+$0x1E680] =	vst v4;
	v2 =	vld [tilespmem:s22+$0x1A6A0]  }
.Ltmp6:
0xef: {  	v3 =	vld.idx.msk [tilespmem:v5+s4+$0x0], $0xffff;
	(pc) =	sbr.rel @p0 .LBB2_13-.Ltmp6, $4  }
0xf0: {  	[tilespmem:s25+$0x1E660] =	vst v6;
	v4 =	vld [tilespmem:s25+$0x1A680]  }
0xf1: {  	v5 =	vld.idx.msk [tilespmem:v7+s4+$0x0], $0xffff  }
0xf2: {  	[tilespmem:s23+$0x1E640] =	vst v8;
	v6 =	vld [tilespmem:s23+$0x1A660]  }
0xf3: {  	s12 =	sshra.s32 s21, $0x2;
	s21 =	sadd.s32 $0x200, s21;
	v7 =	vld.idx.msk [tilespmem:v9+s4+$0x0], $0xffff;
	[tilespmem:s19+$0x1E6B0] =	vst v10;
	s19 =	smov.u32 s22  }
0xf4: {  	v8 =	vld [tilespmem:s12+$0x1A640];
	_ =	sdelay $0x6  }
0xf5: {  	v9 =	vld [tilespmem:s12+$0x1A650]  }
0xf6: {  	v8 =	vld.idx.msk [tilespmem:v8+s4+$0x0], $0xffff;
	_ =	sdelay $0x4  }
0xf7: {  	[tilespmem:s12+$0x1E640] =	vst v8;
	v8 =	vld [tilespmem:s12+$0x1A660];
	_ =	sdelay $0x1  }
0xf8: {  	v9 =	vld.idx.msk [tilespmem:v9+s4+$0x0], $0xffff;
	_ =	sdelay $0x1  }
0xf9: {  	[tilespmem:s23+$0x1E650] =	vst v7;
	v7 =	vld [tilespmem:s23+$0x1A670];
	_ =	sdelay $0x1  }
0xfa: {  	v6 =	vld.idx.msk [tilespmem:v6+s4+$0x0], $0xffff  }
0xfb: {  	v61 =	vld [tilespmem:s12+$0x1A670];
	[tilespmem:s12+$0x1E650] =	vst v9  }
0xfc: {  	v8 =	vld.idx.msk [tilespmem:v8+s4+$0x0], $0xffff;
	_ =	sdelay $0x2  }
0xfd: {  	[tilespmem:s23+$0x1E660] =	vst v6;
	v6 =	vld [tilespmem:s23+$0x1A680]  }
0xfe: {  	v7 =	vld.idx.msk [tilespmem:v7+s4+$0x0], $0xffff  }
0xff: {  	[tilespmem:s12+$0x1E660] =	vst v8;
	v8 =	vld [tilespmem:s12+$0x1A680]  }
0x100: {  	[tilespmem:s25+$0x1E670] =	vst v5;
	v5 =	vld [tilespmem:s25+$0x1A690]  }
0x101: {  	v9 =	vld.idx.msk [tilespmem:v61+s4+$0x0], $0xffff  }
0x102: {  	v4 =	vld.idx.msk [tilespmem:v4+s4+$0x0], $0xffff  }
0x103: {  	[tilespmem:s23+$0x1E670] =	vst v7;
	v7 =	vld [tilespmem:s23+$0x1A690]  }
0x104: {  	v62 =	vld [tilespmem:s12+$0x1A690]  }
0x105: {  	v6 =	vld.idx.msk [tilespmem:v6+s4+$0x0], $0xffff  }
0x106: {  	v63 =	vld [tilespmem:s19+$0x1A6B0];
	[tilespmem:s12+$0x1E670] =	vst v9  }
0x107: {  	v8 =	vld.idx.msk [tilespmem:v8+s4+$0x0], $0xffff  }
0x108: {  	[tilespmem:s25+$0x1E680] =	vst v4;
	v4 =	vld [tilespmem:s25+$0x1A6A0]  }
0x109: {  	v5 =	vld.idx.msk [tilespmem:v5+s4+$0x0], $0xffff  }
0x10a: {  	[tilespmem:s23+$0x1E680] =	vst v6;
	v6 =	vld [tilespmem:s23+$0x1A6A0]  }
0x10b: {  	v7 =	vld.idx.msk [tilespmem:v7+s4+$0x0], $0xffff  }
0x10c: {  	[tilespmem:s12+$0x1E680] =	vst v8;
	v8 =	vld [tilespmem:s12+$0x1A6A0]  }
0x10d: {  	[tilespmem:s19+$0x1E690] =	vst v3;
	v3 =	vld.idx.msk [tilespmem:v62+s4+$0x0], $0xffff  }
0x10e: {  	v2 =	vld.idx.msk [tilespmem:v2+s4+$0x0], $0xffff  }
0x10f: {  	[tilespmem:s25+$0x1E690] =	vst v5;
	v5 =	vld [tilespmem:s25+$0x1A6B0]  }
0x110: {  	v4 =	vld.idx.msk [tilespmem:v4+s4+$0x0], $0xffff  }
0x111: {  	[tilespmem:s23+$0x1E690] =	vst v7;
	v7 =	vld [tilespmem:s23+$0x1A6B0]  }
0x112: {  	[tilespmem:s12+$0x1E690] =	vst v3;
	v3 =	vld [tilespmem:s12+$0x1A6B0]  }
0x113: {  	v6 =	vld.idx.msk [tilespmem:v6+s4+$0x0], $0xffff  }
0x114: {  	v8 =	vld.idx.msk [tilespmem:v8+s4+$0x0], $0xffff;
	_ =	sdelay $0x1  }
0x115: {  	[tilespmem:s19+$0x1E6A0] =	vst v2  }
0x116: {  	v2 =	vld.idx.msk [tilespmem:v63+s4+$0x0], $0xffff;
	[tilespmem:s25+$0x1E6A0] =	vst v4  }
0x117: {  	v4 =	vld.idx.msk [tilespmem:v5+s4+$0x0], $0xffff;
	[tilespmem:s23+$0x1E6A0] =	vst v6  }
0x118: {  	v5 =	vld.idx.msk [tilespmem:v7+s4+$0x0], $0xffff;
	[tilespmem:s12+$0x1E6A0] =	vst v8  }
0x119: {  	v3 =	vld.idx.msk [tilespmem:v3+s4+$0x0], $0xffff;
	_ =	sdelay $0x1  }
0x11a: {  	[tilespmem:s19+$0x1E6B0] =	vst v2  }
0x11b: {  	[tilespmem:s25+$0x1E6B0] =	vst v4  }
0x11c: {  	p0 =	seq.s32 s9, $0x31;
	[tilespmem:s23+$0x1E6B0] =	vst v5  }
0x11d: {  	s26 =	sadd.s32 s18, s13;
	s19 =	sshll.u32 @!p0 s9, $0xB;
	[tilespmem:s12+$0x1E6B0] =	vst v3  }
0x11e: {  	[hbm4b:s26+s4] =	stream.linear.scatter [tilespmem:s0], [sflag:$0x6], $0x1000, $0x38;
	[tilespmem:$0x1F680] =	vst v63  }
0x11f: {  	s21 =	simm.s32 @!p0 $0x0;
	s22 =	simm.s32 @!p0 $0x1A640;
	s12 =	sadd.s32 @!p0 s19, s14  }
0x120: {  	[tilespmem:s22], [sflag:$0x2] =	stream.linear.gather @!p0 [hbm4b:s12+s21], $0x1000, $0x38;
	[tilespmem:$0x1F680] =	vst v63  }
0x121: {  	_ =	swait.ge [sflag:s3], $0x1000  }
0x122: {  	[sflag:s3] =	ssyncset.done $0x0  }
0x123: {  	[sflag:s3] =	ssyncadd.s32 $0xFFFFF000  }
0x124: {  	_ =	swait.ge [sflag:s2], $0x1000  }
0x125: {  	[sflag:s2] =	ssyncset.done $0x0  }
0x126: {  	s25 =	simm.s32 $0x0;
	[sflag:s2] =	ssyncadd.s32 $0xFFFFF000  }
0x127: {  	v2 =	vld [tilespmem:s25+$0x1B640];
	_ =	sdelay $0x6  }
0x128: {  	v3 =	vld [tilespmem:s25+$0x1B650]  }
0x129: {  	v2 =	vld.idx.msk [tilespmem:v2+s4+$0x0], $0xffff;
	_ =	sdelay $0x1  }
0x12a: {  	s23 =	simm.s32 $0x80  }
0x12b: {  	v4 =	vld [tilespmem:s23+$0x1B640];
	_ =	sdelay $0x1  }
0x12c: {  	[tilespmem:s25+$0x1D640] =	vst v2;
	v2 =	vld [tilespmem:s25+$0x1B660];
	_ =	sdelay $0x1  }
0x12d: {  	v3 =	vld.idx.msk [tilespmem:v3+s4+$0x0], $0xffff;
	_ =	sdelay $0x2  }
0x12e: {  	v5 =	vld [tilespmem:s23+$0x1B650]  }
0x12f: {  	v4 =	vld.idx.msk [tilespmem:v4+s4+$0x0], $0xffff  }
0x130: {  	[tilespmem:s25+$0x1D650] =	vst v3;
	v3 =	vld [tilespmem:s25+$0x1B670]  }
0x131: {  	v2 =	vld.idx.msk [tilespmem:v2+s4+$0x0], $0xffff;
	_ =	sdelay $0x3  }
0x132: {  	[tilespmem:s23+$0x1D640] =	vst v4;
	v4 =	vld [tilespmem:s23+$0x1B660]  }
0x133: {  	[tilespmem:s25+$0x1D660] =	vst v2;
	v2 =	vld [tilespmem:s25+$0x1B680]  }
0x134: {  	v5 =	vld.idx.msk [tilespmem:v5+s4+$0x0], $0xffff  }
0x135: {  	s12 =	simm.s32 $0x100;
	v3 =	vld.idx.msk [tilespmem:v3+s4+$0x0], $0xffff  }
0x136: {  	v6 =	vld [tilespmem:s12+$0x1B640];
	_ =	sdelay $0x2  }
0x137: {  	[tilespmem:s23+$0x1D650] =	vst v5;
	v5 =	vld [tilespmem:s23+$0x1B670]  }
0x138: {  	[tilespmem:s25+$0x1D670] =	vst v3;
	v3 =	vld [tilespmem:s25+$0x1B690]  }
0x139: {  	v2 =	vld.idx.msk [tilespmem:v2+s4+$0x0], $0xffff  }
0x13a: {  	v4 =	vld.idx.msk [tilespmem:v4+s4+$0x0], $0xffff  }
0x13b: {  	v7 =	vld [tilespmem:s12+$0x1B650]  }
0x13c: {  	v6 =	vld.idx.msk [tilespmem:v6+s4+$0x0], $0xffff;
	_ =	sdelay $0x1  }
0x13d: {  	[tilespmem:s25+$0x1D680] =	vst v2;
	v2 =	vld [tilespmem:s25+$0x1B6A0]  }
0x13e: {  	[tilespmem:s23+$0x1D660] =	vst v4;
	v4 =	vld [tilespmem:s23+$0x1B680]  }
0x13f: {  	v3 =	vld.idx.msk [tilespmem:v3+s4+$0x0], $0xffff  }
0x140: {  	[tilespmem:s12+$0x1D640] =	vst v6;
	v6 =	vld [tilespmem:s12+$0x1B660]  }
0x141: {  	v5 =	vld.idx.msk [tilespmem:v5+s4+$0x0], $0xffff  }
0x142: {  	s21 =	simm.s32 $0x180;
	s22 =	simm.s32 $0x800;
	v7 =	vld.idx.msk [tilespmem:v7+s4+$0x0], $0xffff  }
.LBB2_15:
0x143: {  	p1 =	sne.s32 s22, $0x3E00;
	v8 =	vld [tilespmem:s21+$0x1B640];
	s26 =	smov.u32 s23;
	s23 =	smov.u32 s12  }
0x144: {  	s12 =	smov.u32 s21;
	[tilespmem:s25+$0x1D690] =	vst v3;
	v3 =	vld [tilespmem:s25+$0x1B6B0]  }
0x145: {  	v2 =	vld.idx.msk [tilespmem:v2+s4+$0x0], $0xffff  }
0x146: {  	[tilespmem:s26+$0x1D670] =	vst v5;
	v5 =	vld [tilespmem:s26+$0x1B690]  }
0x147: {  	v4 =	vld.idx.msk [tilespmem:v4+s4+$0x0], $0xffff  }
0x148: {  	[tilespmem:s23+$0x1D650] =	vst v7;
	v7 =	vld [tilespmem:s23+$0x1B670]  }
0x149: {  	v6 =	vld.idx.msk [tilespmem:v6+s4+$0x0], $0xffff  }
0x14a: {  	v9 =	vld [tilespmem:s12+$0x1B650]  }
0x14b: {  	v8 =	vld.idx.msk [tilespmem:v8+s4+$0x0], $0xffff;
	[tilespmem:s25+$0x1D6A0] =	vst v2  }
0x14c: {  	v10 =	vld.idx.msk [tilespmem:v3+s4+$0x0], $0xffff  }
0x14d: {  	[tilespmem:s26+$0x1D680] =	vst v4;
	v2 =	vld [tilespmem:s26+$0x1B6A0]  }
.Ltmp7:
0x14e: {  	v3 =	vld.idx.msk [tilespmem:v5+s4+$0x0], $0xffff;
	(pc) =	sbr.rel @p1 .LBB2_15-.Ltmp7, $4  }
0x14f: {  	[tilespmem:s23+$0x1D660] =	vst v6;
	v4 =	vld [tilespmem:s23+$0x1B680]  }
0x150: {  	v5 =	vld.idx.msk [tilespmem:v7+s4+$0x0], $0xffff  }
0x151: {  	[tilespmem:s12+$0x1D640] =	vst v8;
	v6 =	vld [tilespmem:s12+$0x1B660]  }
0x152: {  	s21 =	sshra.s32 s22, $0x2;
	s22 =	sadd.s32 $0x200, s22;
	v7 =	vld.idx.msk [tilespmem:v9+s4+$0x0], $0xffff;
	[tilespmem:s25+$0x1D6B0] =	vst v10;
	s25 =	smov.u32 s26  }
0x153: {  	v8 =	vld [tilespmem:s21+$0x1B640];
	_ =	sdelay $0x6  }
0x154: {  	v9 =	vld [tilespmem:s21+$0x1B650]  }
0x155: {  	v8 =	vld.idx.msk [tilespmem:v8+s4+$0x0], $0xffff;
	_ =	sdelay $0x4  }
0x156: {  	[tilespmem:s21+$0x1D640] =	vst v8;
	v8 =	vld [tilespmem:s21+$0x1B660];
	_ =	sdelay $0x1  }
0x157: {  	v9 =	vld.idx.msk [tilespmem:v9+s4+$0x0], $0xffff;
	_ =	sdelay $0x1  }
0x158: {  	[tilespmem:s12+$0x1D650] =	vst v7;
	v7 =	vld [tilespmem:s12+$0x1B670];
	_ =	sdelay $0x1  }
0x159: {  	v6 =	vld.idx.msk [tilespmem:v6+s4+$0x0], $0xffff  }
0x15a: {  	v61 =	vld [tilespmem:s21+$0x1B670];
	[tilespmem:s21+$0x1D650] =	vst v9  }
0x15b: {  	v8 =	vld.idx.msk [tilespmem:v8+s4+$0x0], $0xffff;
	_ =	sdelay $0x2  }
0x15c: {  	[tilespmem:s12+$0x1D660] =	vst v6;
	v6 =	vld [tilespmem:s12+$0x1B680]  }
0x15d: {  	v7 =	vld.idx.msk [tilespmem:v7+s4+$0x0], $0xffff  }
0x15e: {  	[tilespmem:s21+$0x1D660] =	vst v8;
	v8 =	vld [tilespmem:s21+$0x1B680]  }
0x15f: {  	[tilespmem:s23+$0x1D670] =	vst v5;
	v5 =	vld [tilespmem:s23+$0x1B690]  }
0x160: {  	v9 =	vld.idx.msk [tilespmem:v61+s4+$0x0], $0xffff  }
0x161: {  	v4 =	vld.idx.msk [tilespmem:v4+s4+$0x0], $0xffff  }
0x162: {  	[tilespmem:s12+$0x1D670] =	vst v7;
	v7 =	vld [tilespmem:s12+$0x1B690]  }
0x163: {  	v62 =	vld [tilespmem:s21+$0x1B690]  }
0x164: {  	v6 =	vld.idx.msk [tilespmem:v6+s4+$0x0], $0xffff  }
0x165: {  	v63 =	vld [tilespmem:s25+$0x1B6B0];
	[tilespmem:s21+$0x1D670] =	vst v9  }
0x166: {  	v8 =	vld.idx.msk [tilespmem:v8+s4+$0x0], $0xffff  }
0x167: {  	[tilespmem:s23+$0x1D680] =	vst v4;
	v4 =	vld [tilespmem:s23+$0x1B6A0]  }
0x168: {  	v5 =	vld.idx.msk [tilespmem:v5+s4+$0x0], $0xffff  }
0x169: {  	[tilespmem:s12+$0x1D680] =	vst v6;
	v6 =	vld [tilespmem:s12+$0x1B6A0]  }
0x16a: {  	v7 =	vld.idx.msk [tilespmem:v7+s4+$0x0], $0xffff  }
0x16b: {  	[tilespmem:s21+$0x1D680] =	vst v8;
	v8 =	vld [tilespmem:s21+$0x1B6A0]  }
0x16c: {  	[tilespmem:s25+$0x1D690] =	vst v3;
	v3 =	vld.idx.msk [tilespmem:v62+s4+$0x0], $0xffff  }
0x16d: {  	v2 =	vld.idx.msk [tilespmem:v2+s4+$0x0], $0xffff  }
0x16e: {  	[tilespmem:s23+$0x1D690] =	vst v5;
	v5 =	vld [tilespmem:s23+$0x1B6B0]  }
0x16f: {  	v4 =	vld.idx.msk [tilespmem:v4+s4+$0x0], $0xffff  }
0x170: {  	[tilespmem:s12+$0x1D690] =	vst v7;
	v7 =	vld [tilespmem:s12+$0x1B6B0]  }
0x171: {  	[tilespmem:s21+$0x1D690] =	vst v3;
	v3 =	vld [tilespmem:s21+$0x1B6B0]  }
0x172: {  	v6 =	vld.idx.msk [tilespmem:v6+s4+$0x0], $0xffff  }
0x173: {  	v8 =	vld.idx.msk [tilespmem:v8+s4+$0x0], $0xffff;
	_ =	sdelay $0x1  }
0x174: {  	[tilespmem:s25+$0x1D6A0] =	vst v2  }
0x175: {  	v2 =	vld.idx.msk [tilespmem:v63+s4+$0x0], $0xffff;
	[tilespmem:s23+$0x1D6A0] =	vst v4  }
0x176: {  	v4 =	vld.idx.msk [tilespmem:v5+s4+$0x0], $0xffff;
	[tilespmem:s12+$0x1D6A0] =	vst v6  }
0x177: {  	v5 =	vld.idx.msk [tilespmem:v7+s4+$0x0], $0xffff;
	[tilespmem:s21+$0x1D6A0] =	vst v8  }
0x178: {  	v3 =	vld.idx.msk [tilespmem:v3+s4+$0x0], $0xffff;
	_ =	sdelay $0x1  }
0x179: {  	[tilespmem:s25+$0x1D6B0] =	vst v2  }
0x17a: {  	[tilespmem:s23+$0x1D6B0] =	vst v4  }
0x17b: {  	[tilespmem:s12+$0x1D6B0] =	vst v5  }
0x17c: {  	s26 =	sadd.s32 s18, s15;
	[tilespmem:s21+$0x1D6B0] =	vst v3  }
0x17d: {  	[hbm4b:s26+s4] =	stream.linear.scatter [tilespmem:s29], [sflag:$0x5], $0x1000, $0x38;
	[tilespmem:$0x1F680] =	vst v63  }
0x17e: {  	s18 =	simm.s32 @!p0 $0x0;
	s12 =	sadd.s32 @!p0 s19, s16;
	s19 =	simm.s32 @!p0 $0x1B640  }
0x17f: {  	[tilespmem:s19], [sflag:$0x3] =	stream.linear.gather @!p0 [hbm4b:s12+s18], $0x1000, $0x38;
	[tilespmem:$0x1F680] =	vst v63  }
0x180: {  	_ =	swait.ge [sflag:s24], $0x1000  }
0x181: {  	[sflag:s24] =	ssyncset.done $0x0  }
0x182: {  	[sflag:s24] =	ssyncadd.s32 $0xFFFFF000  }
0x183: {  	_ =	swait.ge [sflag:s31], $0x1000  }
0x184: {  	[sflag:s31] =	ssyncset.done $0x0  }
0x185: {  	s18 =	simm.s32 $0x0;
	[sflag:s31] =	ssyncadd.s32 $0xFFFFF000  }
0x186: {  	v2 =	vld [tilespmem:s18+$0x1C640];
	_ =	sdelay $0x6  }
0x187: {  	v3 =	vld [tilespmem:s18+$0x1C650]  }
0x188: {  	v2 =	vld.idx.msk [tilespmem:v2+s4+$0x0], $0xffff;
	_ =	sdelay $0x1  }
0x189: {  	s19 =	simm.s32 $0x80  }
0x18a: {  	v4 =	vld [tilespmem:s19+$0x1C640];
	_ =	sdelay $0x1  }
0x18b: {  	[tilespmem:s18+$0x1E640] =	vst v2;
	v2 =	vld [tilespmem:s18+$0x1C660];
	_ =	sdelay $0x1  }
0x18c: {  	v3 =	vld.idx.msk [tilespmem:v3+s4+$0x0], $0xffff;
	_ =	sdelay $0x2  }
0x18d: {  	v5 =	vld [tilespmem:s19+$0x1C650]  }
0x18e: {  	v4 =	vld.idx.msk [tilespmem:v4+s4+$0x0], $0xffff  }
0x18f: {  	[tilespmem:s18+$0x1E650] =	vst v3;
	v3 =	vld [tilespmem:s18+$0x1C670]  }
0x190: {  	v2 =	vld.idx.msk [tilespmem:v2+s4+$0x0], $0xffff;
	_ =	sdelay $0x3  }
0x191: {  	[tilespmem:s19+$0x1E640] =	vst v4;
	v4 =	vld [tilespmem:s19+$0x1C660]  }
0x192: {  	[tilespmem:s18+$0x1E660] =	vst v2;
	v2 =	vld [tilespmem:s18+$0x1C680]  }
0x193: {  	v5 =	vld.idx.msk [tilespmem:v5+s4+$0x0], $0xffff  }
0x194: {  	s12 =	simm.s32 $0x100;
	v3 =	vld.idx.msk [tilespmem:v3+s4+$0x0], $0xffff  }
0x195: {  	v6 =	vld [tilespmem:s12+$0x1C640];
	_ =	sdelay $0x2  }
0x196: {  	[tilespmem:s19+$0x1E650] =	vst v5;
	v5 =	vld [tilespmem:s19+$0x1C670]  }
0x197: {  	[tilespmem:s18+$0x1E670] =	vst v3;
	v3 =	vld [tilespmem:s18+$0x1C690]  }
0x198: {  	v2 =	vld.idx.msk [tilespmem:v2+s4+$0x0], $0xffff  }
0x199: {  	v4 =	vld.idx.msk [tilespmem:v4+s4+$0x0], $0xffff  }
0x19a: {  	v7 =	vld [tilespmem:s12+$0x1C650]  }
0x19b: {  	v6 =	vld.idx.msk [tilespmem:v6+s4+$0x0], $0xffff;
	_ =	sdelay $0x1  }
0x19c: {  	[tilespmem:s18+$0x1E680] =	vst v2;
	v2 =	vld [tilespmem:s18+$0x1C6A0]  }
0x19d: {  	[tilespmem:s19+$0x1E660] =	vst v4;
	v4 =	vld [tilespmem:s19+$0x1C680]  }
0x19e: {  	v3 =	vld.idx.msk [tilespmem:v3+s4+$0x0], $0xffff  }
0x19f: {  	[tilespmem:s12+$0x1E640] =	vst v6;
	v6 =	vld [tilespmem:s12+$0x1C660]  }
0x1a0: {  	v5 =	vld.idx.msk [tilespmem:v5+s4+$0x0], $0xffff  }
0x1a1: {  	s23 =	simm.s32 $0x180;
	s21 =	simm.s32 $0x800;
	v7 =	vld.idx.msk [tilespmem:v7+s4+$0x0], $0xffff  }
.LBB2_17:
0x1a2: {  	p0 =	sne.s32 s21, $0x3E00;
	v8 =	vld [tilespmem:s23+$0x1C640];
	s22 =	smov.u32 s19;
	s19 =	smov.u32 s12  }
0x1a3: {  	s12 =	smov.u32 s23;
	[tilespmem:s18+$0x1E690] =	vst v3;
	v3 =	vld [tilespmem:s18+$0x1C6B0]  }
0x1a4: {  	v2 =	vld.idx.msk [tilespmem:v2+s4+$0x0], $0xffff  }
0x1a5: {  	[tilespmem:s22+$0x1E670] =	vst v5;
	v5 =	vld [tilespmem:s22+$0x1C690]  }
0x1a6: {  	v4 =	vld.idx.msk [tilespmem:v4+s4+$0x0], $0xffff  }
0x1a7: {  	[tilespmem:s19+$0x1E650] =	vst v7;
	v7 =	vld [tilespmem:s19+$0x1C670]  }
0x1a8: {  	v6 =	vld.idx.msk [tilespmem:v6+s4+$0x0], $0xffff  }
0x1a9: {  	v9 =	vld [tilespmem:s12+$0x1C650]  }
0x1aa: {  	v8 =	vld.idx.msk [tilespmem:v8+s4+$0x0], $0xffff;
	[tilespmem:s18+$0x1E6A0] =	vst v2  }
0x1ab: {  	v10 =	vld.idx.msk [tilespmem:v3+s4+$0x0], $0xffff  }
0x1ac: {  	[tilespmem:s22+$0x1E680] =	vst v4;
	v2 =	vld [tilespmem:s22+$0x1C6A0]  }
.Ltmp8:
0x1ad: {  	v3 =	vld.idx.msk [tilespmem:v5+s4+$0x0], $0xffff;
	(pc) =	sbr.rel @p0 .LBB2_17-.Ltmp8, $4  }
0x1ae: {  	[tilespmem:s19+$0x1E660] =	vst v6;
	v4 =	vld [tilespmem:s19+$0x1C680]  }
0x1af: {  	v5 =	vld.idx.msk [tilespmem:v7+s4+$0x0], $0xffff  }
0x1b0: {  	[tilespmem:s12+$0x1E640] =	vst v8;
	v6 =	vld [tilespmem:s12+$0x1C660]  }
0x1b1: {  	s23 =	sshra.s32 s21, $0x2;
	s21 =	sadd.s32 $0x200, s21;
	v7 =	vld.idx.msk [tilespmem:v9+s4+$0x0], $0xffff;
	[tilespmem:s18+$0x1E6B0] =	vst v10;
	s18 =	smov.u32 s22  }
0x1b2: {  	v8 =	vld [tilespmem:s23+$0x1C640];
	_ =	sdelay $0x5  }
0x1b3: {  	v9 =	vld [tilespmem:s23+$0x1C650];
	_ =	sdelay $0x1  }
0x1b4: {  	v8 =	vld.idx.msk [tilespmem:v8+s4+$0x0], $0xffff;
	_ =	sdelay $0x3  }
0x1b5: {  	v49 =	vld [tilespmem:s23+$0x1C660]  }
0x1b6: {  	[tilespmem:s23+$0x1E640] =	vst v8  }
0x1b7: {  	v9 =	vld.idx.msk [tilespmem:v9+s4+$0x0], $0xffff;
	_ =	sdelay $0x2  }
0x1b8: {  	v50 =	vld [tilespmem:s12+$0x1C670]  }
0x1b9: {  	v51 =	vld [tilespmem:s23+$0x1C670];
	[tilespmem:s12+$0x1E650] =	vst v7  }
0x1ba: {  	v6 =	vld.idx.msk [tilespmem:v6+s4+$0x0], $0xffff;
	[tilespmem:s23+$0x1E650] =	vst v9  }
0x1bb: {  	v8 =	vld.idx.msk [tilespmem:v49+s4+$0x0], $0xffff;
	_ =	sdelay $0x1  }
0x1bc: {  	v52 =	vld [tilespmem:s12+$0x1C680]  }
0x1bd: {  	v53 =	vld [tilespmem:s23+$0x1C680]  }
0x1be: {  	v54 =	vld [tilespmem:s19+$0x1C690];
	[tilespmem:s12+$0x1E660] =	vst v6  }
0x1bf: {  	v7 =	vld.idx.msk [tilespmem:v50+s4+$0x0], $0xffff;
	[tilespmem:s23+$0x1E660] =	vst v8  }
0x1c0: {  	v9 =	vld.idx.msk [tilespmem:v51+s4+$0x0], $0xffff  }
0x1c1: {  	v55 =	vld [tilespmem:s12+$0x1C690]  }
0x1c2: {  	v56 =	vld [tilespmem:s23+$0x1C690]  }
0x1c3: {  	v57 =	vld [tilespmem:s19+$0x1C6A0];
	[tilespmem:s19+$0x1E670] =	vst v5  }
0x1c4: {  	v4 =	vld.idx.msk [tilespmem:v4+s4+$0x0], $0xffff;
	[tilespmem:s12+$0x1E670] =	vst v7  }
0x1c5: {  	v6 =	vld.idx.msk [tilespmem:v52+s4+$0x0], $0xffff;
	[tilespmem:s23+$0x1E670] =	vst v9  }
0x1c6: {  	v8 =	vld.idx.msk [tilespmem:v53+s4+$0x0], $0xffff  }
0x1c7: {  	v58 =	vld [tilespmem:s12+$0x1C6A0]  }
0x1c8: {  	v59 =	vld [tilespmem:s23+$0x1C6A0]  }
0x1c9: {  	v60 =	vld [tilespmem:s18+$0x1C6B0];
	[tilespmem:s19+$0x1E680] =	vst v4  }
0x1ca: {  	v5 =	vld.idx.msk [tilespmem:v54+s4+$0x0], $0xffff;
	[tilespmem:s12+$0x1E680] =	vst v6  }
0x1cb: {  	v7 =	vld.idx.msk [tilespmem:v55+s4+$0x0], $0xffff;
	[tilespmem:s23+$0x1E680] =	vst v8  }
0x1cc: {  	[tilespmem:s18+$0x1E690] =	vst v3;
	v3 =	vld.idx.msk [tilespmem:v56+s4+$0x0], $0xffff  }
0x1cd: {  	v61 =	vld [tilespmem:s19+$0x1C6B0]  }
0x1ce: {  	v62 =	vld [tilespmem:s12+$0x1C6B0]  }
0x1cf: {  	v2 =	vld.idx.msk [tilespmem:v2+s4+$0x0], $0xffff;
	[tilespmem:s19+$0x1E690] =	vst v5  }
0x1d0: {  	v4 =	vld.idx.msk [tilespmem:v57+s4+$0x0], $0xffff;
	[tilespmem:s12+$0x1E690] =	vst v7  }
0x1d1: {  	[tilespmem:s23+$0x1E690] =	vst v3;
	v3 =	vld [tilespmem:s23+$0x1C6B0]  }
0x1d2: {  	v6 =	vld.idx.msk [tilespmem:v58+s4+$0x0], $0xffff  }
0x1d3: {  	v8 =	vld.idx.msk [tilespmem:v59+s4+$0x0], $0xffff;
	_ =	sdelay $0x1  }
0x1d4: {  	[tilespmem:s18+$0x1E6A0] =	vst v2  }
0x1d5: {  	v2 =	vld.idx.msk [tilespmem:v60+s4+$0x0], $0xffff;
	[tilespmem:s19+$0x1E6A0] =	vst v4  }
0x1d6: {  	v4 =	vld.idx.msk [tilespmem:v61+s4+$0x0], $0xffff;
	[tilespmem:s12+$0x1E6A0] =	vst v6  }
0x1d7: {  	v63 =	vld.idx.msk [tilespmem:v62+s4+$0x0], $0xffff;
	[tilespmem:s23+$0x1E6A0] =	vst v8  }
0x1d8: {  	s9 =	sadd.s32 $0x1, s9;
	v3 =	vld.idx.msk [tilespmem:v3+s4+$0x0], $0xffff  }
0x1d9: {  	p0 =	sne.s32 s9, $0x32  }
.Ltmp9:
0x1da: {  	[tilespmem:s18+$0x1E6B0] =	vst v2;
	(pc) =	sbr.rel @p0 .LBB2_6-.Ltmp9, $4  }
0x1db: {  	[tilespmem:s19+$0x1E6B0] =	vst v4  }
0x1dc: {  	s10 =	sshll.u32 s10, $0xE;
	[tilespmem:s12+$0x1E6B0] =	vst v63  }
0x1dd: {  	s10 =	sadd.s32 s10, s17;
	[tilespmem:s23+$0x1E6B0] =	vst v3  }
0x1de: {  	[hbm4b:s10+s4] =	stream.linear.scatter [tilespmem:s0], [sflag:$0x6], $0x1000, $0x38;
	[tilespmem:$0x1F680] =	vst v63  }
0x1df: {  	_ =	swait.ge [sflag:s2], $0x1000  }
0x1e0: {  	[sflag:s2] =	ssyncset.done $0x0  }
0x1e1: {  	[sflag:s2] =	ssyncadd.s32 $0xFFFFF000  }
0x1e2: {  	_ =	swait.ge [sflag:s31], $0x1000  }
0x1e3: {  	s10 =	rddreg [dreg:$0x8]  }
0x1e4: {  	s9 =	rddreg [dreg:$0x7];
	s10 =	sadd.s32 $0x1, s10  }
0x1e5: {  	p0 =	sne.s32 s10, s9  }
.Ltmp10:
0x1e6: {  	_ = 	snop;
	(pc) =	sbr.rel @p0 .LBB2_1-.Ltmp10, $3  }
0x1e7: {  	_ =	sdelay $0x1  }
0x1e8: {  	[sflag:s31] =	ssyncset.done $0x0  }
0x1e9: {  	s23 =	simm.s32 $0x186A0;
	[sflag:s31] =	ssyncadd.s32 $0xFFFFF000  }
0x1ea: {  	_ =	sfence.sel $0x180000  }
0x1eb: {  	[bflag:$0x0] =	sbarrier.arrive $0xFFFF  }
0x1ec: {  	_ =	strace $0x90000047  }
0x1ed: {  	s0 =	stileid.u32;
	[bflag:$0x2] =	sbarrier.arrive $0xFFFF  }
0x1ee: {  	p0 =	sne.s32 s0, $0x0;
	s0 =	rddreg [dreg:$0x3]  }
0x1ef: {  	s0 =	sadd.s32 @!p0 $0x100000, s0  }
0x1f0: {  	[sflag:s0] =	ssyncadd.tile.s32 @!p0 $0x1;
	_ =	shalt  }
.Lfunc_end2:
_tile_overlayer_lowered:
.L_overlay_start_2:
0x1f1: {  	(tag) =	ssettag $0x2  }
0x1f2: {  	s0 =	rddreg [dreg:$0x0];
	s2 =	stileid.u32  }
0x1f3: {  	s1 =	rddreg [dreg:$0x1];
	p0 =	sne.s32 s2, $0x0  }
0x1f4: {  	s3 =	rddreg [dreg:$0x2];
	[bflag:$0x3] =	sbarrier.arrive $0xFFFF;
	s2 =	simm.s32 @!p0 $0x1C08  }
0x1f5: {  	[timem:s3], [sflag:s2] =	dma.local @!p0 [hbm:s0], s1  }
0x1f6: {  	s0 =	simm.s32 @!p0 $0x8  }
0x1f7: {  	_ =	swait.ge @!p0 [sflag:s0], s1  }
0x1f8: {  	s1 =	ssub.s32 @!p0 $0x0, s1;
	[sflag:s0] =	ssyncset.done @!p0 $0x0  }
0x1f9: {  	[sflag:s0] =	ssyncadd.s32 @!p0 s1  }
0x1fa: {  	[bflag:$0x3] =	sbarrier.arrive $0xFFFF  }
0x1fb: {  	_ =	shalt  }

</sc_bundles>
